<compile_context>
chip_gen: v7x
topology: tpu7x:2x2x1
jax: 0.10.2.dev20260603
libtpu: 0.0.44.dev20260713+nightly
codegen_flags: <defaults>
</compile_context>

<pallas_src>
import functools

import jax
import jax.numpy as jnp
from jax import lax
from jax.experimental import pallas as pl
from jax.experimental.pallas import tpu as pltpu
from jax.experimental.pallas import tpu_sc as plsc

NC = 2
NS = 16
NW = NC * NS

CH = 64
NBUF = 10


def _ek(total_rows, d, nch):
    mesh = plsc.VectorSubcoreMesh(core_axis_name="c", subcore_axis_name="s")
    b_per_w = nch * CH
    assert nch % NBUF == 0 and nch // NBUF >= 2

    @functools.partial(
        pl.kernel,
        mesh=mesh,
        out_type=jax.ShapeDtypeStruct((total_rows, d), jnp.float32),
        scratch_types=(
            [pltpu.VMEM((nch, CH), jnp.int32)]
            + [pltpu.VMEM((CH, d), jnp.float32) for _ in range(NBUF)]
            + [pltpu.SemaphoreType.DMA for _ in range(2 * NBUF)]
        ),
    )
    def k(idx_hbm, table_hbm, out_hbm, idx_v, *rest):
        bufs = rest[:NBUF]
        gs = rest[NBUF:2 * NBUF]
        ss = rest[2 * NBUF:]
        wid = lax.axis_index("s") * NC + lax.axis_index("c")
        base = wid * b_per_w

        pltpu.sync_copy(idx_hbm.at[wid], idx_v)

        def gather(c, b):
            return pltpu.make_async_copy(table_hbm.at[idx_v.at[c]], bufs[b], gs[b])

        def scatter(c, b):
            return pltpu.make_async_copy(
                bufs[b], out_hbm.at[pl.ds(base + c * CH, CH)], ss[b])

        for b in range(NBUF):
            gather(b, b).start()

        def body(p, _):
            c = NBUF * p
            for b in range(NBUF):
                gather(c + b, b).wait()
                scatter(c + b, b).start()
            for b in range(NBUF):
                scatter(c + b, b).wait()
                gather(c + NBUF + b, b).start()
            return 0

        lax.fori_loop(0, nch // NBUF - 1, body, 0, unroll=False)

        c = nch - NBUF
        for b in range(NBUF):
            gather(c + b, b).wait()
            scatter(c + b, b).start()
        for b in range(NBUF):
            scatter(c + b, b).wait()

    return k


def kernel(indices, weight):
    b, s = indices.shape
    v, d = weight.shape
    total = b * s
    assert total % (NW * CH) == 0
    nch = total // (NW * CH)
    idx = indices.reshape(NW, nch, CH)
    out = _ek(total, d, nch)(idx, weight)
    return out.reshape(b, s, d)

# --- scband reference (transcript-rebuilt; emitter-appended) ---
"""Pipeline reference for scband-word-helper-16741782520548 (READ-ONLY COPY).

The authoritative reference and input builder live on the scoring server;
editing this copy changes nothing except your own understanding.
"""

import jax, jax.numpy as jnp
import numpy as np

VOC_SIZE = 100000
EMBED_DIM = 128
BATCH = 1024
SEQ = 200
PAD_IDX = 0


def setup_inputs(seed: int = 0) -> dict:
    key = jax.random.key(seed)
    k_idx, k_w = jax.random.split(key)
    indices = jax.random.randint(k_idx, (BATCH, SEQ), 0, VOC_SIZE, dtype=jnp.int32)
    # Embedding table; nn.Embedding initializes N(0,1), padding_idx row is zeroed.
    weight = jax.random.normal(k_w, (VOC_SIZE, EMBED_DIM), dtype=jnp.float32)
    weight = weight.at[PAD_IDX].set(0.0)
    return {"indices": indices, "weight": weight}


def reference(indices, weight):
    # WordHelper.embed (elmo=0 path): embedded = self.word_embedding_matrix(indices)
    # Input: (*,) -> Output: (*, embed_size)
    embedded = jnp.take(weight, indices, axis=0)
    return embedded

if __name__ == "__main__":
    import jax
    _d = setup_inputs()
    print(jax.jit(kernel)(*tuple(_d.values())))

</pallas_src>

<mosaic_0001>
#map = affine_map<(d0, d1) -> (0, 0, 0)>
#map1 = affine_map<(d0, d1) -> (0, 0)>
module attributes {stable_mosaic.version = 14 : i64} {
  func.func @k(%arg0: i32, %arg1: i32, %arg2: memref<32x100x64xi32, #tpu.memory_space<hbm>>, %arg3: memref<100000x128xf32, #tpu.memory_space<hbm>>, %arg4: memref<204800x128xf32, #tpu.memory_space<hbm>>, %arg5: memref<100x64xi32, #tpu.memory_space<vmem>>, %arg6: memref<64x128xf32, #tpu.memory_space<vmem>>, %arg7: memref<64x128xf32, #tpu.memory_space<vmem>>, %arg8: memref<64x128xf32, #tpu.memory_space<vmem>>, %arg9: memref<64x128xf32, #tpu.memory_space<vmem>>, %arg10: memref<64x128xf32, #tpu.memory_space<vmem>>, %arg11: memref<64x128xf32, #tpu.memory_space<vmem>>, %arg12: memref<64x128xf32, #tpu.memory_space<vmem>>, %arg13: memref<64x128xf32, #tpu.memory_space<vmem>>, %arg14: memref<64x128xf32, #tpu.memory_space<vmem>>, %arg15: memref<64x128xf32, #tpu.memory_space<vmem>>, %arg16: memref<!tpu.dma_semaphore, #tpu.memory_space<semaphore_mem>>, %arg17: memref<!tpu.dma_semaphore, #tpu.memory_space<semaphore_mem>>, %arg18: memref<!tpu.dma_semaphore, #tpu.memory_space<semaphore_mem>>, %arg19: memref<!tpu.dma_semaphore, #tpu.memory_space<semaphore_mem>>, %arg20: memref<!tpu.dma_semaphore, #tpu.memory_space<semaphore_mem>>, %arg21: memref<!tpu.dma_semaphore, #tpu.memory_space<semaphore_mem>>, %arg22: memref<!tpu.dma_semaphore, #tpu.memory_space<semaphore_mem>>, %arg23: memref<!tpu.dma_semaphore, #tpu.memory_space<semaphore_mem>>, %arg24: memref<!tpu.dma_semaphore, #tpu.memory_space<semaphore_mem>>, %arg25: memref<!tpu.dma_semaphore, #tpu.memory_space<semaphore_mem>>, %arg26: memref<!tpu.dma_semaphore, #tpu.memory_space<semaphore_mem>>, %arg27: memref<!tpu.dma_semaphore, #tpu.memory_space<semaphore_mem>>, %arg28: memref<!tpu.dma_semaphore, #tpu.memory_space<semaphore_mem>>, %arg29: memref<!tpu.dma_semaphore, #tpu.memory_space<semaphore_mem>>, %arg30: memref<!tpu.dma_semaphore, #tpu.memory_space<semaphore_mem>>, %arg31: memref<!tpu.dma_semaphore, #tpu.memory_space<semaphore_mem>>, %arg32: memref<!tpu.dma_semaphore, #tpu.memory_space<semaphore_mem>>, %arg33: memref<!tpu.dma_semaphore, #tpu.memory_space<semaphore_mem>>, %arg34: memref<!tpu.dma_semaphore, #tpu.memory_space<semaphore_mem>>, %arg35: memref<!tpu.dma_semaphore, #tpu.memory_space<semaphore_mem>>) attributes {dimension_semantics = [#tpu.dimension_semantics<core_parallel>, #tpu.dimension_semantics<subcore_parallel>], iteration_bounds = array<i64: 2, 16>, scalar_prefetch = 0 : i64, scratch_operands = 31 : i64, tpu.core_type = #tpu.core_type<sc_vector_subcore>, window_params = [{transform_indices = #map}, {transform_indices = #map1}, {transform_indices = #map1}]} {
    %mul3A = arith.constant 2 : i32
    %mul3A_0 = arith.muli %arg1, %mul3A : i32
    %add3A = arith.addi %mul3A_0, %arg0 : i32
    %mul3A_1 = arith.constant 6400 : i32
    %mul3A_2 = arith.muli %add3A, %mul3A_1 : i32
    "tpu.region"() ({
      %run_scoped3A = tpu.sem_alloc : memref<!tpu.dma_semaphore, #tpu.memory_space<semaphore_mem>>
      %dma_start3A_267 = arith.constant 0 : i32
      %dma_start3A_268 = arith.constant 0 : i32
      %dma_start3A_269 = tpu.memref_slice %arg2[%add3A, %dma_start3A_267, %dma_start3A_268] : memref<32x100x64xi32, #tpu.memory_space<hbm>> -> memref<1x100x64xi32, #tpu.memory_space<hbm>>
      %dma_start3A_270 = tpu.memref_squeeze %dma_start3A_269 : memref<1x100x64xi32, #tpu.memory_space<hbm>> -> memref<100x64xi32, #tpu.memory_space<hbm>>
      %dma_start3A_271 = arith.constant 0 : i32
      %dma_start3A_272 = arith.constant 0 : i32
      %dma_start3A_273 = tpu.memref_slice %arg2[%add3A, %dma_start3A_271, %dma_start3A_272] : memref<32x100x64xi32, #tpu.memory_space<hbm>> -> memref<1x100x64xi32, #tpu.memory_space<hbm>>
      %dma_start3A_274 = tpu.memref_squeeze %dma_start3A_273 : memref<1x100x64xi32, #tpu.memory_space<hbm>> -> memref<100x64xi32, #tpu.memory_space<hbm>>
      tpu.enqueue_dma source(%dma_start3A_274 : memref<100x64xi32, #tpu.memory_space<hbm>>) target(%arg5 : memref<100x64xi32, #tpu.memory_space<vmem>>) target_semaphore(%run_scoped3A : memref<!tpu.dma_semaphore, #tpu.memory_space<semaphore_mem>>)
      %dma_wait3A_275 = arith.constant 0 : i32
      %dma_wait3A_276 = arith.constant 0 : i32
      %dma_wait3A_277 = tpu.memref_slice %arg2[%add3A, %dma_wait3A_275, %dma_wait3A_276] : memref<32x100x64xi32, #tpu.memory_space<hbm>> -> memref<1x100x64xi32, #tpu.memory_space<hbm>>
      %dma_wait3A_278 = tpu.memref_squeeze %dma_wait3A_277 : memref<1x100x64xi32, #tpu.memory_space<hbm>> -> memref<100x64xi32, #tpu.memory_space<hbm>>
      %dma_wait3A_279 = arith.constant 0 : i32
      %dma_wait3A_280 = arith.constant 0 : i32
      %dma_wait3A_281 = tpu.memref_slice %arg2[%add3A, %dma_wait3A_279, %dma_wait3A_280] : memref<32x100x64xi32, #tpu.memory_space<hbm>> -> memref<1x100x64xi32, #tpu.memory_space<hbm>>
      %dma_wait3A_282 = tpu.memref_squeeze %dma_wait3A_281 : memref<1x100x64xi32, #tpu.memory_space<hbm>> -> memref<100x64xi32, #tpu.memory_space<hbm>>
      tpu.wait_dma2 semaphore(%run_scoped3A : memref<!tpu.dma_semaphore, #tpu.memory_space<semaphore_mem>>) src(%dma_wait3A_282 : memref<100x64xi32, #tpu.memory_space<hbm>>) dst(%arg5 : memref<100x64xi32, #tpu.memory_space<vmem>>)
      tpu.yield
    }) : () -> ()
    %dma_start3A = arith.constant 0 : i32
    %dma_start3A_3 = arith.constant 0 : i32
    %dma_start3A_4 = tpu.memref_slice %arg5[%dma_start3A, %dma_start3A_3] : memref<100x64xi32, #tpu.memory_space<vmem>> -> memref<1x64xi32, #tpu.memory_space<vmem>>
    %dma_start3A_5 = tpu.memref_squeeze %dma_start3A_4 : memref<1x64xi32, #tpu.memory_space<vmem>> -> memref<64xi32, #tpu.memory_space<vmem>>
    %dma_start3A_6 = arith.constant 0 : i32
    %dma_start3A_7 = arith.constant 0 : i32
    %dma_start3A_8 = tpu.memref_slice %arg3[%dma_start3A_6, %dma_start3A_7] : memref<100000x128xf32, #tpu.memory_space<hbm>> -> memref<100000x128xf32, #tpu.memory_space<hbm>>
    tpu.enqueue_indirect_dma source(%dma_start3A_8 : memref<100000x128xf32, #tpu.memory_space<hbm>>) target(%arg6 : memref<64x128xf32, #tpu.memory_space<vmem>>) offsets(%dma_start3A_5 : memref<64xi32, #tpu.memory_space<vmem>>) semaphore(%arg16 : memref<!tpu.dma_semaphore, #tpu.memory_space<semaphore_mem>>)
    %dma_start3A_9 = arith.constant 1 : i32
    %dma_start3A_10 = arith.constant 0 : i32
    %dma_start3A_11 = tpu.memref_slice %arg5[%dma_start3A_9, %dma_start3A_10] : memref<100x64xi32, #tpu.memory_space<vmem>> -> memref<1x64xi32, #tpu.memory_space<vmem>>
    %dma_start3A_12 = tpu.memref_squeeze %dma_start3A_11 : memref<1x64xi32, #tpu.memory_space<vmem>> -> memref<64xi32, #tpu.memory_space<vmem>>
    %dma_start3A_13 = arith.constant 0 : i32
    %dma_start3A_14 = arith.constant 0 : i32
    %dma_start3A_15 = tpu.memref_slice %arg3[%dma_start3A_13, %dma_start3A_14] : memref<100000x128xf32, #tpu.memory_space<hbm>> -> memref<100000x128xf32, #tpu.memory_space<hbm>>
    tpu.enqueue_indirect_dma source(%dma_start3A_15 : memref<100000x128xf32, #tpu.memory_space<hbm>>) target(%arg7 : memref<64x128xf32, #tpu.memory_space<vmem>>) offsets(%dma_start3A_12 : memref<64xi32, #tpu.memory_space<vmem>>) semaphore(%arg17 : memref<!tpu.dma_semaphore, #tpu.memory_space<semaphore_mem>>)
    %dma_start3A_16 = arith.constant 2 : i32
    %dma_start3A_17 = arith.constant 0 : i32
    %dma_start3A_18 = tpu.memref_slice %arg5[%dma_start3A_16, %dma_start3A_17] : memref<100x64xi32, #tpu.memory_space<vmem>> -> memref<1x64xi32, #tpu.memory_space<vmem>>
    %dma_start3A_19 = tpu.memref_squeeze %dma_start3A_18 : memref<1x64xi32, #tpu.memory_space<vmem>> -> memref<64xi32, #tpu.memory_space<vmem>>
    %dma_start3A_20 = arith.constant 0 : i32
    %dma_start3A_21 = arith.constant 0 : i32
    %dma_start3A_22 = tpu.memref_slice %arg3[%dma_start3A_20, %dma_start3A_21] : memref<100000x128xf32, #tpu.memory_space<hbm>> -> memref<100000x128xf32, #tpu.memory_space<hbm>>
    tpu.enqueue_indirect_dma source(%dma_start3A_22 : memref<100000x128xf32, #tpu.memory_space<hbm>>) target(%arg8 : memref<64x128xf32, #tpu.memory_space<vmem>>) offsets(%dma_start3A_19 : memref<64xi32, #tpu.memory_space<vmem>>) semaphore(%arg18 : memref<!tpu.dma_semaphore, #tpu.memory_space<semaphore_mem>>)
    %dma_start3A_23 = arith.constant 3 : i32
    %dma_start3A_24 = arith.constant 0 : i32
    %dma_start3A_25 = tpu.memref_slice %arg5[%dma_start3A_23, %dma_start3A_24] : memref<100x64xi32, #tpu.memory_space<vmem>> -> memref<1x64xi32, #tpu.memory_space<vmem>>
    %dma_start3A_26 = tpu.memref_squeeze %dma_start3A_25 : memref<1x64xi32, #tpu.memory_space<vmem>> -> memref<64xi32, #tpu.memory_space<vmem>>
    %dma_start3A_27 = arith.constant 0 : i32
    %dma_start3A_28 = arith.constant 0 : i32
    %dma_start3A_29 = tpu.memref_slice %arg3[%dma_start3A_27, %dma_start3A_28] : memref<100000x128xf32, #tpu.memory_space<hbm>> -> memref<100000x128xf32, #tpu.memory_space<hbm>>
    tpu.enqueue_indirect_dma source(%dma_start3A_29 : memref<100000x128xf32, #tpu.memory_space<hbm>>) target(%arg9 : memref<64x128xf32, #tpu.memory_space<vmem>>) offsets(%dma_start3A_26 : memref<64xi32, #tpu.memory_space<vmem>>) semaphore(%arg19 : memref<!tpu.dma_semaphore, #tpu.memory_space<semaphore_mem>>)
    %dma_start3A_30 = arith.constant 4 : i32
    %dma_start3A_31 = arith.constant 0 : i32
    %dma_start3A_32 = tpu.memref_slice %arg5[%dma_start3A_30, %dma_start3A_31] : memref<100x64xi32, #tpu.memory_space<vmem>> -> memref<1x64xi32, #tpu.memory_space<vmem>>
    %dma_start3A_33 = tpu.memref_squeeze %dma_start3A_32 : memref<1x64xi32, #tpu.memory_space<vmem>> -> memref<64xi32, #tpu.memory_space<vmem>>
    %dma_start3A_34 = arith.constant 0 : i32
    %dma_start3A_35 = arith.constant 0 : i32
    %dma_start3A_36 = tpu.memref_slice %arg3[%dma_start3A_34, %dma_start3A_35] : memref<100000x128xf32, #tpu.memory_space<hbm>> -> memref<100000x128xf32, #tpu.memory_space<hbm>>
    tpu.enqueue_indirect_dma source(%dma_start3A_36 : memref<100000x128xf32, #tpu.memory_space<hbm>>) target(%arg10 : memref<64x128xf32, #tpu.memory_space<vmem>>) offsets(%dma_start3A_33 : memref<64xi32, #tpu.memory_space<vmem>>) semaphore(%arg20 : memref<!tpu.dma_semaphore, #tpu.memory_space<semaphore_mem>>)
    %dma_start3A_37 = arith.constant 5 : i32
    %dma_start3A_38 = arith.constant 0 : i32
    %dma_start3A_39 = tpu.memref_slice %arg5[%dma_start3A_37, %dma_start3A_38] : memref<100x64xi32, #tpu.memory_space<vmem>> -> memref<1x64xi32, #tpu.memory_space<vmem>>
    %dma_start3A_40 = tpu.memref_squeeze %dma_start3A_39 : memref<1x64xi32, #tpu.memory_space<vmem>> -> memref<64xi32, #tpu.memory_space<vmem>>
    %dma_start3A_41 = arith.constant 0 : i32
    %dma_start3A_42 = arith.constant 0 : i32
    %dma_start3A_43 = tpu.memref_slice %arg3[%dma_start3A_41, %dma_start3A_42] : memref<100000x128xf32, #tpu.memory_space<hbm>> -> memref<100000x128xf32, #tpu.memory_space<hbm>>
    tpu.enqueue_indirect_dma source(%dma_start3A_43 : memref<100000x128xf32, #tpu.memory_space<hbm>>) target(%arg11 : memref<64x128xf32, #tpu.memory_space<vmem>>) offsets(%dma_start3A_40 : memref<64xi32, #tpu.memory_space<vmem>>) semaphore(%arg21 : memref<!tpu.dma_semaphore, #tpu.memory_space<semaphore_mem>>)
    %dma_start3A_44 = arith.constant 6 : i32
    %dma_start3A_45 = arith.constant 0 : i32
    %dma_start3A_46 = tpu.memref_slice %arg5[%dma_start3A_44, %dma_start3A_45] : memref<100x64xi32, #tpu.memory_space<vmem>> -> memref<1x64xi32, #tpu.memory_space<vmem>>
    %dma_start3A_47 = tpu.memref_squeeze %dma_start3A_46 : memref<1x64xi32, #tpu.memory_space<vmem>> -> memref<64xi32, #tpu.memory_space<vmem>>
    %dma_start3A_48 = arith.constant 0 : i32
    %dma_start3A_49 = arith.constant 0 : i32
    %dma_start3A_50 = tpu.memref_slice %arg3[%dma_start3A_48, %dma_start3A_49] : memref<100000x128xf32, #tpu.memory_space<hbm>> -> memref<100000x128xf32, #tpu.memory_space<hbm>>
    tpu.enqueue_indirect_dma source(%dma_start3A_50 : memref<100000x128xf32, #tpu.memory_space<hbm>>) target(%arg12 : memref<64x128xf32, #tpu.memory_space<vmem>>) offsets(%dma_start3A_47 : memref<64xi32, #tpu.memory_space<vmem>>) semaphore(%arg22 : memref<!tpu.dma_semaphore, #tpu.memory_space<semaphore_mem>>)
    %dma_start3A_51 = arith.constant 7 : i32
    %dma_start3A_52 = arith.constant 0 : i32
    %dma_start3A_53 = tpu.memref_slice %arg5[%dma_start3A_51, %dma_start3A_52] : memref<100x64xi32, #tpu.memory_space<vmem>> -> memref<1x64xi32, #tpu.memory_space<vmem>>
    %dma_start3A_54 = tpu.memref_squeeze %dma_start3A_53 : memref<1x64xi32, #tpu.memory_space<vmem>> -> memref<64xi32, #tpu.memory_space<vmem>>
    %dma_start3A_55 = arith.constant 0 : i32
    %dma_start3A_56 = arith.constant 0 : i32
    %dma_start3A_57 = tpu.memref_slice %arg3[%dma_start3A_55, %dma_start3A_56] : memref<100000x128xf32, #tpu.memory_space<hbm>> -> memref<100000x128xf32, #tpu.memory_space<hbm>>
    tpu.enqueue_indirect_dma source(%dma_start3A_57 : memref<100000x128xf32, #tpu.memory_space<hbm>>) target(%arg13 : memref<64x128xf32, #tpu.memory_space<vmem>>) offsets(%dma_start3A_54 : memref<64xi32, #tpu.memory_space<vmem>>) semaphore(%arg23 : memref<!tpu.dma_semaphore, #tpu.memory_space<semaphore_mem>>)
    %dma_start3A_58 = arith.constant 8 : i32
    %dma_start3A_59 = arith.constant 0 : i32
    %dma_start3A_60 = tpu.memref_slice %arg5[%dma_start3A_58, %dma_start3A_59] : memref<100x64xi32, #tpu.memory_space<vmem>> -> memref<1x64xi32, #tpu.memory_space<vmem>>
    %dma_start3A_61 = tpu.memref_squeeze %dma_start3A_60 : memref<1x64xi32, #tpu.memory_space<vmem>> -> memref<64xi32, #tpu.memory_space<vmem>>
    %dma_start3A_62 = arith.constant 0 : i32
    %dma_start3A_63 = arith.constant 0 : i32
    %dma_start3A_64 = tpu.memref_slice %arg3[%dma_start3A_62, %dma_start3A_63] : memref<100000x128xf32, #tpu.memory_space<hbm>> -> memref<100000x128xf32, #tpu.memory_space<hbm>>
    tpu.enqueue_indirect_dma source(%dma_start3A_64 : memref<100000x128xf32, #tpu.memory_space<hbm>>) target(%arg14 : memref<64x128xf32, #tpu.memory_space<vmem>>) offsets(%dma_start3A_61 : memref<64xi32, #tpu.memory_space<vmem>>) semaphore(%arg24 : memref<!tpu.dma_semaphore, #tpu.memory_space<semaphore_mem>>)
    %dma_start3A_65 = arith.constant 9 : i32
    %dma_start3A_66 = arith.constant 0 : i32
    %dma_start3A_67 = tpu.memref_slice %arg5[%dma_start3A_65, %dma_start3A_66] : memref<100x64xi32, #tpu.memory_space<vmem>> -> memref<1x64xi32, #tpu.memory_space<vmem>>
    %dma_start3A_68 = tpu.memref_squeeze %dma_start3A_67 : memref<1x64xi32, #tpu.memory_space<vmem>> -> memref<64xi32, #tpu.memory_space<vmem>>
    %dma_start3A_69 = arith.constant 0 : i32
    %dma_start3A_70 = arith.constant 0 : i32
    %dma_start3A_71 = tpu.memref_slice %arg3[%dma_start3A_69, %dma_start3A_70] : memref<100000x128xf32, #tpu.memory_space<hbm>> -> memref<100000x128xf32, #tpu.memory_space<hbm>>
    tpu.enqueue_indirect_dma source(%dma_start3A_71 : memref<100000x128xf32, #tpu.memory_space<hbm>>) target(%arg15 : memref<64x128xf32, #tpu.memory_space<vmem>>) offsets(%dma_start3A_68 : memref<64xi32, #tpu.memory_space<vmem>>) semaphore(%arg25 : memref<!tpu.dma_semaphore, #tpu.memory_space<semaphore_mem>>)
    %scan3A = arith.constant 0 : i32
    %scan3A_72 = arith.constant 0 : i32
    %scan3A_73 = arith.constant 9 : i32
    %scan3A_74 = arith.addi %scan3A_72, %scan3A_73 : i32
    %scan3A_75 = arith.constant 1 : i32
    %scan3A_76 = scf.for %scan3A_267 = %scan3A_72 to %scan3A_74 step %scan3A_75 iter_args(%scan3A_268 = %scan3A) -> (i32)  : i32 {
      %mul3A_269 = arith.constant 10 : i32
      %mul3A_270 = arith.muli %mul3A_269, %scan3A_267 : i32
      %add3A_271 = arith.constant 0 : i32
      %add3A_272 = arith.addi %mul3A_270, %add3A_271 : i32
      %dma_wait3A_273 = arith.constant 0 : i32
      %dma_wait3A_274 = tpu.memref_slice %arg5[%add3A_272, %dma_wait3A_273] : memref<100x64xi32, #tpu.memory_space<vmem>> -> memref<1x64xi32, #tpu.memory_space<vmem>>
      %dma_wait3A_275 = tpu.memref_squeeze %dma_wait3A_274 : memref<1x64xi32, #tpu.memory_space<vmem>> -> memref<64xi32, #tpu.memory_space<vmem>>
      %dma_wait3A_276 = arith.constant 0 : i32
      %dma_wait3A_277 = arith.constant 0 : i32
      %dma_wait3A_278 = tpu.memref_slice %arg3[%dma_wait3A_276, %dma_wait3A_277] : memref<100000x128xf32, #tpu.memory_space<hbm>> -> memref<100000x128xf32, #tpu.memory_space<hbm>>
      tpu.wait_indirect_dma semaphore(%arg16 : memref<!tpu.dma_semaphore, #tpu.memory_space<semaphore_mem>>) src(%dma_wait3A_278 : memref<100000x128xf32, #tpu.memory_space<hbm>>) dst(%arg6 : memref<64x128xf32, #tpu.memory_space<vmem>>)
      %add3A_279 = arith.constant 0 : i32
      %add3A_280 = arith.addi %mul3A_270, %add3A_279 : i32
      %mul3A_281 = arith.constant 64 : i32
      %mul3A_282 = arith.muli %add3A_280, %mul3A_281 : i32
      %add3A_283 = arith.addi %mul3A_2, %mul3A_282 : i32
      %dma_start3A_284 = arith.constant 0 : i32
      %dma_start3A_285 = tpu.memref_slice %arg4[%add3A_283, %dma_start3A_284] : memref<204800x128xf32, #tpu.memory_space<hbm>> -> memref<64x128xf32, #tpu.memory_space<hbm>>
      %dma_start3A_286 = arith.constant 0 : i32
      %dma_start3A_287 = tpu.memref_slice %arg4[%add3A_283, %dma_start3A_286] : memref<204800x128xf32, #tpu.memory_space<hbm>> -> memref<64x128xf32, #tpu.memory_space<hbm>>
      tpu.enqueue_dma source(%arg6 : memref<64x128xf32, #tpu.memory_space<vmem>>) target(%dma_start3A_287 : memref<64x128xf32, #tpu.memory_space<hbm>>) target_semaphore(%arg26 : memref<!tpu.dma_semaphore, #tpu.memory_space<semaphore_mem>>)
      %add3A_288 = arith.constant 1 : i32
      %add3A_289 = arith.addi %mul3A_270, %add3A_288 : i32
      %dma_wait3A_290 = arith.constant 0 : i32
      %dma_wait3A_291 = tpu.memref_slice %arg5[%add3A_289, %dma_wait3A_290] : memref<100x64xi32, #tpu.memory_space<vmem>> -> memref<1x64xi32, #tpu.memory_space<vmem>>
      %dma_wait3A_292 = tpu.memref_squeeze %dma_wait3A_291 : memref<1x64xi32, #tpu.memory_space<vmem>> -> memref<64xi32, #tpu.memory_space<vmem>>
      %dma_wait3A_293 = arith.constant 0 : i32
      %dma_wait3A_294 = arith.constant 0 : i32
      %dma_wait3A_295 = tpu.memref_slice %arg3[%dma_wait3A_293, %dma_wait3A_294] : memref<100000x128xf32, #tpu.memory_space<hbm>> -> memref<100000x128xf32, #tpu.memory_space<hbm>>
      tpu.wait_indirect_dma semaphore(%arg17 : memref<!tpu.dma_semaphore, #tpu.memory_space<semaphore_mem>>) src(%dma_wait3A_295 : memref<100000x128xf32, #tpu.memory_space<hbm>>) dst(%arg7 : memref<64x128xf32, #tpu.memory_space<vmem>>)
      %add3A_296 = arith.constant 1 : i32
      %add3A_297 = arith.addi %mul3A_270, %add3A_296 : i32
      %mul3A_298 = arith.constant 64 : i32
      %mul3A_299 = arith.muli %add3A_297, %mul3A_298 : i32
      %add3A_300 = arith.addi %mul3A_2, %mul3A_299 : i32
      %dma_start3A_301 = arith.constant 0 : i32
      %dma_start3A_302 = tpu.memref_slice %arg4[%add3A_300, %dma_start3A_301] : memref<204800x128xf32, #tpu.memory_space<hbm>> -> memref<64x128xf32, #tpu.memory_space<hbm>>
      %dma_start3A_303 = arith.constant 0 : i32
      %dma_start3A_304 = tpu.memref_slice %arg4[%add3A_300, %dma_start3A_303] : memref<204800x128xf32, #tpu.memory_space<hbm>> -> memref<64x128xf32, #tpu.memory_space<hbm>>
      tpu.enqueue_dma source(%arg7 : memref<64x128xf32, #tpu.memory_space<vmem>>) target(%dma_start3A_304 : memref<64x128xf32, #tpu.memory_space<hbm>>) target_semaphore(%arg27 : memref<!tpu.dma_semaphore, #tpu.memory_space<semaphore_mem>>)
      %add3A_305 = arith.constant 2 : i32
      %add3A_306 = arith.addi %mul3A_270, %add3A_305 : i32
      %dma_wait3A_307 = arith.constant 0 : i32
      %dma_wait3A_308 = tpu.memref_slice %arg5[%add3A_306, %dma_wait3A_307] : memref<100x64xi32, #tpu.memory_space<vmem>> -> memref<1x64xi32, #tpu.memory_space<vmem>>
      %dma_wait3A_309 = tpu.memref_squeeze %dma_wait3A_308 : memref<1x64xi32, #tpu.memory_space<vmem>> -> memref<64xi32, #tpu.memory_space<vmem>>
      %dma_wait3A_310 = arith.constant 0 : i32
      %dma_wait3A_311 = arith.constant 0 : i32
      %dma_wait3A_312 = tpu.memref_slice %arg3[%dma_wait3A_310, %dma_wait3A_311] : memref<100000x128xf32, #tpu.memory_space<hbm>> -> memref<100000x128xf32, #tpu.memory_space<hbm>>
      tpu.wait_indirect_dma semaphore(%arg18 : memref<!tpu.dma_semaphore, #tpu.memory_space<semaphore_mem>>) src(%dma_wait3A_312 : memref<100000x128xf32, #tpu.memory_space<hbm>>) dst(%arg8 : memref<64x128xf32, #tpu.memory_space<vmem>>)
      %add3A_313 = arith.constant 2 : i32
      %add3A_314 = arith.addi %mul3A_270, %add3A_313 : i32
      %mul3A_315 = arith.constant 64 : i32
      %mul3A_316 = arith.muli %add3A_314, %mul3A_315 : i32
      %add3A_317 = arith.addi %mul3A_2, %mul3A_316 : i32
      %dma_start3A_318 = arith.constant 0 : i32
      %dma_start3A_319 = tpu.memref_slice %arg4[%add3A_317, %dma_start3A_318] : memref<204800x128xf32, #tpu.memory_space<hbm>> -> memref<64x128xf32, #tpu.memory_space<hbm>>
      %dma_start3A_320 = arith.constant 0 : i32
      %dma_start3A_321 = tpu.memref_slice %arg4[%add3A_317, %dma_start3A_320] : memref<204800x128xf32, #tpu.memory_space<hbm>> -> memref<64x128xf32, #tpu.memory_space<hbm>>
      tpu.enqueue_dma source(%arg8 : memref<64x128xf32, #tpu.memory_space<vmem>>) target(%dma_start3A_321 : memref<64x128xf32, #tpu.memory_space<hbm>>) target_semaphore(%arg28 : memref<!tpu.dma_semaphore, #tpu.memory_space<semaphore_mem>>)
      %add3A_322 = arith.constant 3 : i32
      %add3A_323 = arith.addi %mul3A_270, %add3A_322 : i32
      %dma_wait3A_324 = arith.constant 0 : i32
      %dma_wait3A_325 = tpu.memref_slice %arg5[%add3A_323, %dma_wait3A_324] : memref<100x64xi32, #tpu.memory_space<vmem>> -> memref<1x64xi32, #tpu.memory_space<vmem>>
      %dma_wait3A_326 = tpu.memref_squeeze %dma_wait3A_325 : memref<1x64xi32, #tpu.memory_space<vmem>> -> memref<64xi32, #tpu.memory_space<vmem>>
      %dma_wait3A_327 = arith.constant 0 : i32
      %dma_wait3A_328 = arith.constant 0 : i32
      %dma_wait3A_329 = tpu.memref_slice %arg3[%dma_wait3A_327, %dma_wait3A_328] : memref<100000x128xf32, #tpu.memory_space<hbm>> -> memref<100000x128xf32, #tpu.memory_space<hbm>>
      tpu.wait_indirect_dma semaphore(%arg19 : memref<!tpu.dma_semaphore, #tpu.memory_space<semaphore_mem>>) src(%dma_wait3A_329 : memref<100000x128xf32, #tpu.memory_space<hbm>>) dst(%arg9 : memref<64x128xf32, #tpu.memory_space<vmem>>)
      %add3A_330 = arith.constant 3 : i32
      %add3A_331 = arith.addi %mul3A_270, %add3A_330 : i32
      %mul3A_332 = arith.constant 64 : i32
      %mul3A_333 = arith.muli %add3A_331, %mul3A_332 : i32
      %add3A_334 = arith.addi %mul3A_2, %mul3A_333 : i32
      %dma_start3A_335 = arith.constant 0 : i32
      %dma_start3A_336 = tpu.memref_slice %arg4[%add3A_334, %dma_start3A_335] : memref<204800x128xf32, #tpu.memory_space<hbm>> -> memref<64x128xf32, #tpu.memory_space<hbm>>
      %dma_start3A_337 = arith.constant 0 : i32
      %dma_start3A_338 = tpu.memref_slice %arg4[%add3A_334, %dma_start3A_337] : memref<204800x128xf32, #tpu.memory_space<hbm>> -> memref<64x128xf32, #tpu.memory_space<hbm>>
      tpu.enqueue_dma source(%arg9 : memref<64x128xf32, #tpu.memory_space<vmem>>) target(%dma_start3A_338 : memref<64x128xf32, #tpu.memory_space<hbm>>) target_semaphore(%arg29 : memref<!tpu.dma_semaphore, #tpu.memory_space<semaphore_mem>>)
      %add3A_339 = arith.constant 4 : i32
      %add3A_340 = arith.addi %mul3A_270, %add3A_339 : i32
      %dma_wait3A_341 = arith.constant 0 : i32
      %dma_wait3A_342 = tpu.memref_slice %arg5[%add3A_340, %dma_wait3A_341] : memref<100x64xi32, #tpu.memory_space<vmem>> -> memref<1x64xi32, #tpu.memory_space<vmem>>
      %dma_wait3A_343 = tpu.memref_squeeze %dma_wait3A_342 : memref<1x64xi32, #tpu.memory_space<vmem>> -> memref<64xi32, #tpu.memory_space<vmem>>
      %dma_wait3A_344 = arith.constant 0 : i32
      %dma_wait3A_345 = arith.constant 0 : i32
      %dma_wait3A_346 = tpu.memref_slice %arg3[%dma_wait3A_344, %dma_wait3A_345] : memref<100000x128xf32, #tpu.memory_space<hbm>> -> memref<100000x128xf32, #tpu.memory_space<hbm>>
      tpu.wait_indirect_dma semaphore(%arg20 : memref<!tpu.dma_semaphore, #tpu.memory_space<semaphore_mem>>) src(%dma_wait3A_346 : memref<100000x128xf32, #tpu.memory_space<hbm>>) dst(%arg10 : memref<64x128xf32, #tpu.memory_space<vmem>>)
      %add3A_347 = arith.constant 4 : i32
      %add3A_348 = arith.addi %mul3A_270, %add3A_347 : i32
      %mul3A_349 = arith.constant 64 : i32
      %mul3A_350 = arith.muli %add3A_348, %mul3A_349 : i32
      %add3A_351 = arith.addi %mul3A_2, %mul3A_350 : i32
      %dma_start3A_352 = arith.constant 0 : i32
      %dma_start3A_353 = tpu.memref_slice %arg4[%add3A_351, %dma_start3A_352] : memref<204800x128xf32, #tpu.memory_space<hbm>> -> memref<64x128xf32, #tpu.memory_space<hbm>>
      %dma_start3A_354 = arith.constant 0 : i32
      %dma_start3A_355 = tpu.memref_slice %arg4[%add3A_351, %dma_start3A_354] : memref<204800x128xf32, #tpu.memory_space<hbm>> -> memref<64x128xf32, #tpu.memory_space<hbm>>
      tpu.enqueue_dma source(%arg10 : memref<64x128xf32, #tpu.memory_space<vmem>>) target(%dma_start3A_355 : memref<64x128xf32, #tpu.memory_space<hbm>>) target_semaphore(%arg30 : memref<!tpu.dma_semaphore, #tpu.memory_space<semaphore_mem>>)
      %add3A_356 = arith.constant 5 : i32
      %add3A_357 = arith.addi %mul3A_270, %add3A_356 : i32
      %dma_wait3A_358 = arith.constant 0 : i32
      %dma_wait3A_359 = tpu.memref_slice %arg5[%add3A_357, %dma_wait3A_358] : memref<100x64xi32, #tpu.memory_space<vmem>> -> memref<1x64xi32, #tpu.memory_space<vmem>>
      %dma_wait3A_360 = tpu.memref_squeeze %dma_wait3A_359 : memref<1x64xi32, #tpu.memory_space<vmem>> -> memref<64xi32, #tpu.memory_space<vmem>>
      %dma_wait3A_361 = arith.constant 0 : i32
      %dma_wait3A_362 = arith.constant 0 : i32
      %dma_wait3A_363 = tpu.memref_slice %arg3[%dma_wait3A_361, %dma_wait3A_362] : memref<100000x128xf32, #tpu.memory_space<hbm>> -> memref<100000x128xf32, #tpu.memory_space<hbm>>
      tpu.wait_indirect_dma semaphore(%arg21 : memref<!tpu.dma_semaphore, #tpu.memory_space<semaphore_mem>>) src(%dma_wait3A_363 : memref<100000x128xf32, #tpu.memory_space<hbm>>) dst(%arg11 : memref<64x128xf32, #tpu.memory_space<vmem>>)
      %add3A_364 = arith.constant 5 : i32
      %add3A_365 = arith.addi %mul3A_270, %add3A_364 : i32
      %mul3A_366 = arith.constant 64 : i32
      %mul3A_367 = arith.muli %add3A_365, %mul3A_366 : i32
      %add3A_368 = arith.addi %mul3A_2, %mul3A_367 : i32
      %dma_start3A_369 = arith.constant 0 : i32
      %dma_start3A_370 = tpu.memref_slice %arg4[%add3A_368, %dma_start3A_369] : memref<204800x128xf32, #tpu.memory_space<hbm>> -> memref<64x128xf32, #tpu.memory_space<hbm>>
      %dma_start3A_371 = arith.constant 0 : i32
      %dma_start3A_372 = tpu.memref_slice %arg4[%add3A_368, %dma_start3A_371] : memref<204800x128xf32, #tpu.memory_space<hbm>> -> memref<64x128xf32, #tpu.memory_space<hbm>>
      tpu.enqueue_dma source(%arg11 : memref<64x128xf32, #tpu.memory_space<vmem>>) target(%dma_start3A_372 : memref<64x128xf32, #tpu.memory_space<hbm>>) target_semaphore(%arg31 : memref<!tpu.dma_semaphore, #tpu.memory_space<semaphore_mem>>)
      %add3A_373 = arith.constant 6 : i32
      %add3A_374 = arith.addi %mul3A_270, %add3A_373 : i32
      %dma_wait3A_375 = arith.constant 0 : i32
      %dma_wait3A_376 = tpu.memref_slice %arg5[%add3A_374, %dma_wait3A_375] : memref<100x64xi32, #tpu.memory_space<vmem>> -> memref<1x64xi32, #tpu.memory_space<vmem>>
      %dma_wait3A_377 = tpu.memref_squeeze %dma_wait3A_376 : memref<1x64xi32, #tpu.memory_space<vmem>> -> memref<64xi32, #tpu.memory_space<vmem>>
      %dma_wait3A_378 = arith.constant 0 : i32
      %dma_wait3A_379 = arith.constant 0 : i32
      %dma_wait3A_380 = tpu.memref_slice %arg3[%dma_wait3A_378, %dma_wait3A_379] : memref<100000x128xf32, #tpu.memory_space<hbm>> -> memref<100000x128xf32, #tpu.memory_space<hbm>>
      tpu.wait_indirect_dma semaphore(%arg22 : memref<!tpu.dma_semaphore, #tpu.memory_space<semaphore_mem>>) src(%dma_wait3A_380 : memref<100000x128xf32, #tpu.memory_space<hbm>>) dst(%arg12 : memref<64x128xf32, #tpu.memory_space<vmem>>)
      %add3A_381 = arith.constant 6 : i32
      %add3A_382 = arith.addi %mul3A_270, %add3A_381 : i32
      %mul3A_383 = arith.constant 64 : i32
      %mul3A_384 = arith.muli %add3A_382, %mul3A_383 : i32
      %add3A_385 = arith.addi %mul3A_2, %mul3A_384 : i32
      %dma_start3A_386 = arith.constant 0 : i32
      %dma_start3A_387 = tpu.memref_slice %arg4[%add3A_385, %dma_start3A_386] : memref<204800x128xf32, #tpu.memory_space<hbm>> -> memref<64x128xf32, #tpu.memory_space<hbm>>
      %dma_start3A_388 = arith.constant 0 : i32
      %dma_start3A_389 = tpu.memref_slice %arg4[%add3A_385, %dma_start3A_388] : memref<204800x128xf32, #tpu.memory_space<hbm>> -> memref<64x128xf32, #tpu.memory_space<hbm>>
      tpu.enqueue_dma source(%arg12 : memref<64x128xf32, #tpu.memory_space<vmem>>) target(%dma_start3A_389 : memref<64x128xf32, #tpu.memory_space<hbm>>) target_semaphore(%arg32 : memref<!tpu.dma_semaphore, #tpu.memory_space<semaphore_mem>>)
      %add3A_390 = arith.constant 7 : i32
      %add3A_391 = arith.addi %mul3A_270, %add3A_390 : i32
      %dma_wait3A_392 = arith.constant 0 : i32
      %dma_wait3A_393 = tpu.memref_slice %arg5[%add3A_391, %dma_wait3A_392] : memref<100x64xi32, #tpu.memory_space<vmem>> -> memref<1x64xi32, #tpu.memory_space<vmem>>
      %dma_wait3A_394 = tpu.memref_squeeze %dma_wait3A_393 : memref<1x64xi32, #tpu.memory_space<vmem>> -> memref<64xi32, #tpu.memory_space<vmem>>
      %dma_wait3A_395 = arith.constant 0 : i32
      %dma_wait3A_396 = arith.constant 0 : i32
      %dma_wait3A_397 = tpu.memref_slice %arg3[%dma_wait3A_395, %dma_wait3A_396] : memref<100000x128xf32, #tpu.memory_space<hbm>> -> memref<100000x128xf32, #tpu.memory_space<hbm>>
      tpu.wait_indirect_dma semaphore(%arg23 : memref<!tpu.dma_semaphore, #tpu.memory_space<semaphore_mem>>) src(%dma_wait3A_397 : memref<100000x128xf32, #tpu.memory_space<hbm>>) dst(%arg13 : memref<64x128xf32, #tpu.memory_space<vmem>>)
      %add3A_398 = arith.constant 7 : i32
      %add3A_399 = arith.addi %mul3A_270, %add3A_398 : i32
      %mul3A_400 = arith.constant 64 : i32
      %mul3A_401 = arith.muli %add3A_399, %mul3A_400 : i32
      %add3A_402 = arith.addi %mul3A_2, %mul3A_401 : i32
      %dma_start3A_403 = arith.constant 0 : i32
      %dma_start3A_404 = tpu.memref_slice %arg4[%add3A_402, %dma_start3A_403] : memref<204800x128xf32, #tpu.memory_space<hbm>> -> memref<64x128xf32, #tpu.memory_space<hbm>>
      %dma_start3A_405 = arith.constant 0 : i32
      %dma_start3A_406 = tpu.memref_slice %arg4[%add3A_402, %dma_start3A_405] : memref<204800x128xf32, #tpu.memory_space<hbm>> -> memref<64x128xf32, #tpu.memory_space<hbm>>
      tpu.enqueue_dma source(%arg13 : memref<64x128xf32, #tpu.memory_space<vmem>>) target(%dma_start3A_406 : memref<64x128xf32, #tpu.memory_space<hbm>>) target_semaphore(%arg33 : memref<!tpu.dma_semaphore, #tpu.memory_space<semaphore_mem>>)
      %add3A_407 = arith.constant 8 : i32
      %add3A_408 = arith.addi %mul3A_270, %add3A_407 : i32
      %dma_wait3A_409 = arith.constant 0 : i32
      %dma_wait3A_410 = tpu.memref_slice %arg5[%add3A_408, %dma_wait3A_409] : memref<100x64xi32, #tpu.memory_space<vmem>> -> memref<1x64xi32, #tpu.memory_space<vmem>>
      %dma_wait3A_411 = tpu.memref_squeeze %dma_wait3A_410 : memref<1x64xi32, #tpu.memory_space<vmem>> -> memref<64xi32, #tpu.memory_space<vmem>>
      %dma_wait3A_412 = arith.constant 0 : i32
      %dma_wait3A_413 = arith.constant 0 : i32
      %dma_wait3A_414 = tpu.memref_slice %arg3[%dma_wait3A_412, %dma_wait3A_413] : memref<100000x128xf32, #tpu.memory_space<hbm>> -> memref<100000x128xf32, #tpu.memory_space<hbm>>
      tpu.wait_indirect_dma semaphore(%arg24 : memref<!tpu.dma_semaphore, #tpu.memory_space<semaphore_mem>>) src(%dma_wait3A_414 : memref<100000x128xf32, #tpu.memory_space<hbm>>) dst(%arg14 : memref<64x128xf32, #tpu.memory_space<vmem>>)
      %add3A_415 = arith.constant 8 : i32
      %add3A_416 = arith.addi %mul3A_270, %add3A_415 : i32
      %mul3A_417 = arith.constant 64 : i32
      %mul3A_418 = arith.muli %add3A_416, %mul3A_417 : i32
      %add3A_419 = arith.addi %mul3A_2, %mul3A_418 : i32
      %dma_start3A_420 = arith.constant 0 : i32
      %dma_start3A_421 = tpu.memref_slice %arg4[%add3A_419, %dma_start3A_420] : memref<204800x128xf32, #tpu.memory_space<hbm>> -> memref<64x128xf32, #tpu.memory_space<hbm>>
      %dma_start3A_422 = arith.constant 0 : i32
      %dma_start3A_423 = tpu.memref_slice %arg4[%add3A_419, %dma_start3A_422] : memref<204800x128xf32, #tpu.memory_space<hbm>> -> memref<64x128xf32, #tpu.memory_space<hbm>>
      tpu.enqueue_dma source(%arg14 : memref<64x128xf32, #tpu.memory_space<vmem>>) target(%dma_start3A_423 : memref<64x128xf32, #tpu.memory_space<hbm>>) target_semaphore(%arg34 : memref<!tpu.dma_semaphore, #tpu.memory_space<semaphore_mem>>)
      %add3A_424 = arith.constant 9 : i32
      %add3A_425 = arith.addi %mul3A_270, %add3A_424 : i32
      %dma_wait3A_426 = arith.constant 0 : i32
      %dma_wait3A_427 = tpu.memref_slice %arg5[%add3A_425, %dma_wait3A_426] : memref<100x64xi32, #tpu.memory_space<vmem>> -> memref<1x64xi32, #tpu.memory_space<vmem>>
      %dma_wait3A_428 = tpu.memref_squeeze %dma_wait3A_427 : memref<1x64xi32, #tpu.memory_space<vmem>> -> memref<64xi32, #tpu.memory_space<vmem>>
      %dma_wait3A_429 = arith.constant 0 : i32
      %dma_wait3A_430 = arith.constant 0 : i32
      %dma_wait3A_431 = tpu.memref_slice %arg3[%dma_wait3A_429, %dma_wait3A_430] : memref<100000x128xf32, #tpu.memory_space<hbm>> -> memref<100000x128xf32, #tpu.memory_space<hbm>>
      tpu.wait_indirect_dma semaphore(%arg25 : memref<!tpu.dma_semaphore, #tpu.memory_space<semaphore_mem>>) src(%dma_wait3A_431 : memref<100000x128xf32, #tpu.memory_space<hbm>>) dst(%arg15 : memref<64x128xf32, #tpu.memory_space<vmem>>)
      %add3A_432 = arith.constant 9 : i32
      %add3A_433 = arith.addi %mul3A_270, %add3A_432 : i32
      %mul3A_434 = arith.constant 64 : i32
      %mul3A_435 = arith.muli %add3A_433, %mul3A_434 : i32
      %add3A_436 = arith.addi %mul3A_2, %mul3A_435 : i32
      %dma_start3A_437 = arith.constant 0 : i32
      %dma_start3A_438 = tpu.memref_slice %arg4[%add3A_436, %dma_start3A_437] : memref<204800x128xf32, #tpu.memory_space<hbm>> -> memref<64x128xf32, #tpu.memory_space<hbm>>
      %dma_start3A_439 = arith.constant 0 : i32
      %dma_start3A_440 = tpu.memref_slice %arg4[%add3A_436, %dma_start3A_439] : memref<204800x128xf32, #tpu.memory_space<hbm>> -> memref<64x128xf32, #tpu.memory_space<hbm>>
      tpu.enqueue_dma source(%arg15 : memref<64x128xf32, #tpu.memory_space<vmem>>) target(%dma_start3A_440 : memref<64x128xf32, #tpu.memory_space<hbm>>) target_semaphore(%arg35 : memref<!tpu.dma_semaphore, #tpu.memory_space<semaphore_mem>>)
      %add3A_441 = arith.constant 0 : i32
      %add3A_442 = arith.addi %mul3A_270, %add3A_441 : i32
      %mul3A_443 = arith.constant 64 : i32
      %mul3A_444 = arith.muli %add3A_442, %mul3A_443 : i32
      %add3A_445 = arith.addi %mul3A_2, %mul3A_444 : i32
      %dma_wait3A_446 = arith.constant 0 : i32
      %dma_wait3A_447 = tpu.memref_slice %arg4[%add3A_445, %dma_wait3A_446] : memref<204800x128xf32, #tpu.memory_space<hbm>> -> memref<64x128xf32, #tpu.memory_space<hbm>>
      %dma_wait3A_448 = arith.constant 0 : i32
      %dma_wait3A_449 = tpu.memref_slice %arg4[%add3A_445, %dma_wait3A_448] : memref<204800x128xf32, #tpu.memory_space<hbm>> -> memref<64x128xf32, #tpu.memory_space<hbm>>
      tpu.wait_dma2 semaphore(%arg26 : memref<!tpu.dma_semaphore, #tpu.memory_space<semaphore_mem>>) src(%arg6 : memref<64x128xf32, #tpu.memory_space<vmem>>) dst(%dma_wait3A_449 : memref<64x128xf32, #tpu.memory_space<hbm>>)
      %add3A_450 = arith.constant 10 : i32
      %add3A_451 = arith.addi %mul3A_270, %add3A_450 : i32
      %add3A_452 = arith.constant 0 : i32
      %add3A_453 = arith.addi %add3A_451, %add3A_452 : i32
      %dma_start3A_454 = arith.constant 0 : i32
      %dma_start3A_455 = tpu.memref_slice %arg5[%add3A_453, %dma_start3A_454] : memref<100x64xi32, #tpu.memory_space<vmem>> -> memref<1x64xi32, #tpu.memory_space<vmem>>
      %dma_start3A_456 = tpu.memref_squeeze %dma_start3A_455 : memref<1x64xi32, #tpu.memory_space<vmem>> -> memref<64xi32, #tpu.memory_space<vmem>>
      %dma_start3A_457 = arith.constant 0 : i32
      %dma_start3A_458 = arith.constant 0 : i32
      %dma_start3A_459 = tpu.memref_slice %arg3[%dma_start3A_457, %dma_start3A_458] : memref<100000x128xf32, #tpu.memory_space<hbm>> -> memref<100000x128xf32, #tpu.memory_space<hbm>>
      tpu.enqueue_indirect_dma source(%dma_start3A_459 : memref<100000x128xf32, #tpu.memory_space<hbm>>) target(%arg6 : memref<64x128xf32, #tpu.memory_space<vmem>>) offsets(%dma_start3A_456 : memref<64xi32, #tpu.memory_space<vmem>>) semaphore(%arg16 : memref<!tpu.dma_semaphore, #tpu.memory_space<semaphore_mem>>)
      %add3A_460 = arith.constant 1 : i32
      %add3A_461 = arith.addi %mul3A_270, %add3A_460 : i32
      %mul3A_462 = arith.constant 64 : i32
      %mul3A_463 = arith.muli %add3A_461, %mul3A_462 : i32
      %add3A_464 = arith.addi %mul3A_2, %mul3A_463 : i32
      %dma_wait3A_465 = arith.constant 0 : i32
      %dma_wait3A_466 = tpu.memref_slice %arg4[%add3A_464, %dma_wait3A_465] : memref<204800x128xf32, #tpu.memory_space<hbm>> -> memref<64x128xf32, #tpu.memory_space<hbm>>
      %dma_wait3A_467 = arith.constant 0 : i32
      %dma_wait3A_468 = tpu.memref_slice %arg4[%add3A_464, %dma_wait3A_467] : memref<204800x128xf32, #tpu.memory_space<hbm>> -> memref<64x128xf32, #tpu.memory_space<hbm>>
      tpu.wait_dma2 semaphore(%arg27 : memref<!tpu.dma_semaphore, #tpu.memory_space<semaphore_mem>>) src(%arg7 : memref<64x128xf32, #tpu.memory_space<vmem>>) dst(%dma_wait3A_468 : memref<64x128xf32, #tpu.memory_space<hbm>>)
      %add3A_469 = arith.constant 10 : i32
      %add3A_470 = arith.addi %mul3A_270, %add3A_469 : i32
      %add3A_471 = arith.constant 1 : i32
      %add3A_472 = arith.addi %add3A_470, %add3A_471 : i32
      %dma_start3A_473 = arith.constant 0 : i32
      %dma_start3A_474 = tpu.memref_slice %arg5[%add3A_472, %dma_start3A_473] : memref<100x64xi32, #tpu.memory_space<vmem>> -> memref<1x64xi32, #tpu.memory_space<vmem>>
      %dma_start3A_475 = tpu.memref_squeeze %dma_start3A_474 : memref<1x64xi32, #tpu.memory_space<vmem>> -> memref<64xi32, #tpu.memory_space<vmem>>
      %dma_start3A_476 = arith.constant 0 : i32
      %dma_start3A_477 = arith.constant 0 : i32
      %dma_start3A_478 = tpu.memref_slice %arg3[%dma_start3A_476, %dma_start3A_477] : memref<100000x128xf32, #tpu.memory_space<hbm>> -> memref<100000x128xf32, #tpu.memory_space<hbm>>
      tpu.enqueue_indirect_dma source(%dma_start3A_478 : memref<100000x128xf32, #tpu.memory_space<hbm>>) target(%arg7 : memref<64x128xf32, #tpu.memory_space<vmem>>) offsets(%dma_start3A_475 : memref<64xi32, #tpu.memory_space<vmem>>) semaphore(%arg17 : memref<!tpu.dma_semaphore, #tpu.memory_space<semaphore_mem>>)
      %add3A_479 = arith.constant 2 : i32
      %add3A_480 = arith.addi %mul3A_270, %add3A_479 : i32
      %mul3A_481 = arith.constant 64 : i32
      %mul3A_482 = arith.muli %add3A_480, %mul3A_481 : i32
      %add3A_483 = arith.addi %mul3A_2, %mul3A_482 : i32
      %dma_wait3A_484 = arith.constant 0 : i32
      %dma_wait3A_485 = tpu.memref_slice %arg4[%add3A_483, %dma_wait3A_484] : memref<204800x128xf32, #tpu.memory_space<hbm>> -> memref<64x128xf32, #tpu.memory_space<hbm>>
      %dma_wait3A_486 = arith.constant 0 : i32
      %dma_wait3A_487 = tpu.memref_slice %arg4[%add3A_483, %dma_wait3A_486] : memref<204800x128xf32, #tpu.memory_space<hbm>> -> memref<64x128xf32, #tpu.memory_space<hbm>>
      tpu.wait_dma2 semaphore(%arg28 : memref<!tpu.dma_semaphore, #tpu.memory_space<semaphore_mem>>) src(%arg8 : memref<64x128xf32, #tpu.memory_space<vmem>>) dst(%dma_wait3A_487 : memref<64x128xf32, #tpu.memory_space<hbm>>)
      %add3A_488 = arith.constant 10 : i32
      %add3A_489 = arith.addi %mul3A_270, %add3A_488 : i32
      %add3A_490 = arith.constant 2 : i32
      %add3A_491 = arith.addi %add3A_489, %add3A_490 : i32
      %dma_start3A_492 = arith.constant 0 : i32
      %dma_start3A_493 = tpu.memref_slice %arg5[%add3A_491, %dma_start3A_492] : memref<100x64xi32, #tpu.memory_space<vmem>> -> memref<1x64xi32, #tpu.memory_space<vmem>>
      %dma_start3A_494 = tpu.memref_squeeze %dma_start3A_493 : memref<1x64xi32, #tpu.memory_space<vmem>> -> memref<64xi32, #tpu.memory_space<vmem>>
      %dma_start3A_495 = arith.constant 0 : i32
      %dma_start3A_496 = arith.constant 0 : i32
      %dma_start3A_497 = tpu.memref_slice %arg3[%dma_start3A_495, %dma_start3A_496] : memref<100000x128xf32, #tpu.memory_space<hbm>> -> memref<100000x128xf32, #tpu.memory_space<hbm>>
      tpu.enqueue_indirect_dma source(%dma_start3A_497 : memref<100000x128xf32, #tpu.memory_space<hbm>>) target(%arg8 : memref<64x128xf32, #tpu.memory_space<vmem>>) offsets(%dma_start3A_494 : memref<64xi32, #tpu.memory_space<vmem>>) semaphore(%arg18 : memref<!tpu.dma_semaphore, #tpu.memory_space<semaphore_mem>>)
      %add3A_498 = arith.constant 3 : i32
      %add3A_499 = arith.addi %mul3A_270, %add3A_498 : i32
      %mul3A_500 = arith.constant 64 : i32
      %mul3A_501 = arith.muli %add3A_499, %mul3A_500 : i32
      %add3A_502 = arith.addi %mul3A_2, %mul3A_501 : i32
      %dma_wait3A_503 = arith.constant 0 : i32
      %dma_wait3A_504 = tpu.memref_slice %arg4[%add3A_502, %dma_wait3A_503] : memref<204800x128xf32, #tpu.memory_space<hbm>> -> memref<64x128xf32, #tpu.memory_space<hbm>>
      %dma_wait3A_505 = arith.constant 0 : i32
      %dma_wait3A_506 = tpu.memref_slice %arg4[%add3A_502, %dma_wait3A_505] : memref<204800x128xf32, #tpu.memory_space<hbm>> -> memref<64x128xf32, #tpu.memory_space<hbm>>
      tpu.wait_dma2 semaphore(%arg29 : memref<!tpu.dma_semaphore, #tpu.memory_space<semaphore_mem>>) src(%arg9 : memref<64x128xf32, #tpu.memory_space<vmem>>) dst(%dma_wait3A_506 : memref<64x128xf32, #tpu.memory_space<hbm>>)
      %add3A_507 = arith.constant 10 : i32
      %add3A_508 = arith.addi %mul3A_270, %add3A_507 : i32
      %add3A_509 = arith.constant 3 : i32
      %add3A_510 = arith.addi %add3A_508, %add3A_509 : i32
      %dma_start3A_511 = arith.constant 0 : i32
      %dma_start3A_512 = tpu.memref_slice %arg5[%add3A_510, %dma_start3A_511] : memref<100x64xi32, #tpu.memory_space<vmem>> -> memref<1x64xi32, #tpu.memory_space<vmem>>
      %dma_start3A_513 = tpu.memref_squeeze %dma_start3A_512 : memref<1x64xi32, #tpu.memory_space<vmem>> -> memref<64xi32, #tpu.memory_space<vmem>>
      %dma_start3A_514 = arith.constant 0 : i32
      %dma_start3A_515 = arith.constant 0 : i32
      %dma_start3A_516 = tpu.memref_slice %arg3[%dma_start3A_514, %dma_start3A_515] : memref<100000x128xf32, #tpu.memory_space<hbm>> -> memref<100000x128xf32, #tpu.memory_space<hbm>>
      tpu.enqueue_indirect_dma source(%dma_start3A_516 : memref<100000x128xf32, #tpu.memory_space<hbm>>) target(%arg9 : memref<64x128xf32, #tpu.memory_space<vmem>>) offsets(%dma_start3A_513 : memref<64xi32, #tpu.memory_space<vmem>>) semaphore(%arg19 : memref<!tpu.dma_semaphore, #tpu.memory_space<semaphore_mem>>)
      %add3A_517 = arith.constant 4 : i32
      %add3A_518 = arith.addi %mul3A_270, %add3A_517 : i32
      %mul3A_519 = arith.constant 64 : i32
      %mul3A_520 = arith.muli %add3A_518, %mul3A_519 : i32
      %add3A_521 = arith.addi %mul3A_2, %mul3A_520 : i32
      %dma_wait3A_522 = arith.constant 0 : i32
      %dma_wait3A_523 = tpu.memref_slice %arg4[%add3A_521, %dma_wait3A_522] : memref<204800x128xf32, #tpu.memory_space<hbm>> -> memref<64x128xf32, #tpu.memory_space<hbm>>
      %dma_wait3A_524 = arith.constant 0 : i32
      %dma_wait3A_525 = tpu.memref_slice %arg4[%add3A_521, %dma_wait3A_524] : memref<204800x128xf32, #tpu.memory_space<hbm>> -> memref<64x128xf32, #tpu.memory_space<hbm>>
      tpu.wait_dma2 semaphore(%arg30 : memref<!tpu.dma_semaphore, #tpu.memory_space<semaphore_mem>>) src(%arg10 : memref<64x128xf32, #tpu.memory_space<vmem>>) dst(%dma_wait3A_525 : memref<64x128xf32, #tpu.memory_space<hbm>>)
      %add3A_526 = arith.constant 10 : i32
      %add3A_527 = arith.addi %mul3A_270, %add3A_526 : i32
      %add3A_528 = arith.constant 4 : i32
      %add3A_529 = arith.addi %add3A_527, %add3A_528 : i32
      %dma_start3A_530 = arith.constant 0 : i32
      %dma_start3A_531 = tpu.memref_slice %arg5[%add3A_529, %dma_start3A_530] : memref<100x64xi32, #tpu.memory_space<vmem>> -> memref<1x64xi32, #tpu.memory_space<vmem>>
      %dma_start3A_532 = tpu.memref_squeeze %dma_start3A_531 : memref<1x64xi32, #tpu.memory_space<vmem>> -> memref<64xi32, #tpu.memory_space<vmem>>
      %dma_start3A_533 = arith.constant 0 : i32
      %dma_start3A_534 = arith.constant 0 : i32
      %dma_start3A_535 = tpu.memref_slice %arg3[%dma_start3A_533, %dma_start3A_534] : memref<100000x128xf32, #tpu.memory_space<hbm>> -> memref<100000x128xf32, #tpu.memory_space<hbm>>
      tpu.enqueue_indirect_dma source(%dma_start3A_535 : memref<100000x128xf32, #tpu.memory_space<hbm>>) target(%arg10 : memref<64x128xf32, #tpu.memory_space<vmem>>) offsets(%dma_start3A_532 : memref<64xi32, #tpu.memory_space<vmem>>) semaphore(%arg20 : memref<!tpu.dma_semaphore, #tpu.memory_space<semaphore_mem>>)
      %add3A_536 = arith.constant 5 : i32
      %add3A_537 = arith.addi %mul3A_270, %add3A_536 : i32
      %mul3A_538 = arith.constant 64 : i32
      %mul3A_539 = arith.muli %add3A_537, %mul3A_538 : i32
      %add3A_540 = arith.addi %mul3A_2, %mul3A_539 : i32
      %dma_wait3A_541 = arith.constant 0 : i32
      %dma_wait3A_542 = tpu.memref_slice %arg4[%add3A_540, %dma_wait3A_541] : memref<204800x128xf32, #tpu.memory_space<hbm>> -> memref<64x128xf32, #tpu.memory_space<hbm>>
      %dma_wait3A_543 = arith.constant 0 : i32
      %dma_wait3A_544 = tpu.memref_slice %arg4[%add3A_540, %dma_wait3A_543] : memref<204800x128xf32, #tpu.memory_space<hbm>> -> memref<64x128xf32, #tpu.memory_space<hbm>>
      tpu.wait_dma2 semaphore(%arg31 : memref<!tpu.dma_semaphore, #tpu.memory_space<semaphore_mem>>) src(%arg11 : memref<64x128xf32, #tpu.memory_space<vmem>>) dst(%dma_wait3A_544 : memref<64x128xf32, #tpu.memory_space<hbm>>)
      %add3A_545 = arith.constant 10 : i32
      %add3A_546 = arith.addi %mul3A_270, %add3A_545 : i32
      %add3A_547 = arith.constant 5 : i32
      %add3A_548 = arith.addi %add3A_546, %add3A_547 : i32
      %dma_start3A_549 = arith.constant 0 : i32
      %dma_start3A_550 = tpu.memref_slice %arg5[%add3A_548, %dma_start3A_549] : memref<100x64xi32, #tpu.memory_space<vmem>> -> memref<1x64xi32, #tpu.memory_space<vmem>>
      %dma_start3A_551 = tpu.memref_squeeze %dma_start3A_550 : memref<1x64xi32, #tpu.memory_space<vmem>> -> memref<64xi32, #tpu.memory_space<vmem>>
      %dma_start3A_552 = arith.constant 0 : i32
      %dma_start3A_553 = arith.constant 0 : i32
      %dma_start3A_554 = tpu.memref_slice %arg3[%dma_start3A_552, %dma_start3A_553] : memref<100000x128xf32, #tpu.memory_space<hbm>> -> memref<100000x128xf32, #tpu.memory_space<hbm>>
      tpu.enqueue_indirect_dma source(%dma_start3A_554 : memref<100000x128xf32, #tpu.memory_space<hbm>>) target(%arg11 : memref<64x128xf32, #tpu.memory_space<vmem>>) offsets(%dma_start3A_551 : memref<64xi32, #tpu.memory_space<vmem>>) semaphore(%arg21 : memref<!tpu.dma_semaphore, #tpu.memory_space<semaphore_mem>>)
      %add3A_555 = arith.constant 6 : i32
      %add3A_556 = arith.addi %mul3A_270, %add3A_555 : i32
      %mul3A_557 = arith.constant 64 : i32
      %mul3A_558 = arith.muli %add3A_556, %mul3A_557 : i32
      %add3A_559 = arith.addi %mul3A_2, %mul3A_558 : i32
      %dma_wait3A_560 = arith.constant 0 : i32
      %dma_wait3A_561 = tpu.memref_slice %arg4[%add3A_559, %dma_wait3A_560] : memref<204800x128xf32, #tpu.memory_space<hbm>> -> memref<64x128xf32, #tpu.memory_space<hbm>>
      %dma_wait3A_562 = arith.constant 0 : i32
      %dma_wait3A_563 = tpu.memref_slice %arg4[%add3A_559, %dma_wait3A_562] : memref<204800x128xf32, #tpu.memory_space<hbm>> -> memref<64x128xf32, #tpu.memory_space<hbm>>
      tpu.wait_dma2 semaphore(%arg32 : memref<!tpu.dma_semaphore, #tpu.memory_space<semaphore_mem>>) src(%arg12 : memref<64x128xf32, #tpu.memory_space<vmem>>) dst(%dma_wait3A_563 : memref<64x128xf32, #tpu.memory_space<hbm>>)
      %add3A_564 = arith.constant 10 : i32
      %add3A_565 = arith.addi %mul3A_270, %add3A_564 : i32
      %add3A_566 = arith.constant 6 : i32
      %add3A_567 = arith.addi %add3A_565, %add3A_566 : i32
      %dma_start3A_568 = arith.constant 0 : i32
      %dma_start3A_569 = tpu.memref_slice %arg5[%add3A_567, %dma_start3A_568] : memref<100x64xi32, #tpu.memory_space<vmem>> -> memref<1x64xi32, #tpu.memory_space<vmem>>
      %dma_start3A_570 = tpu.memref_squeeze %dma_start3A_569 : memref<1x64xi32, #tpu.memory_space<vmem>> -> memref<64xi32, #tpu.memory_space<vmem>>
      %dma_start3A_571 = arith.constant 0 : i32
      %dma_start3A_572 = arith.constant 0 : i32
      %dma_start3A_573 = tpu.memref_slice %arg3[%dma_start3A_571, %dma_start3A_572] : memref<100000x128xf32, #tpu.memory_space<hbm>> -> memref<100000x128xf32, #tpu.memory_space<hbm>>
      tpu.enqueue_indirect_dma source(%dma_start3A_573 : memref<100000x128xf32, #tpu.memory_space<hbm>>) target(%arg12 : memref<64x128xf32, #tpu.memory_space<vmem>>) offsets(%dma_start3A_570 : memref<64xi32, #tpu.memory_space<vmem>>) semaphore(%arg22 : memref<!tpu.dma_semaphore, #tpu.memory_space<semaphore_mem>>)
      %add3A_574 = arith.constant 7 : i32
      %add3A_575 = arith.addi %mul3A_270, %add3A_574 : i32
      %mul3A_576 = arith.constant 64 : i32
      %mul3A_577 = arith.muli %add3A_575, %mul3A_576 : i32
      %add3A_578 = arith.addi %mul3A_2, %mul3A_577 : i32
      %dma_wait3A_579 = arith.constant 0 : i32
      %dma_wait3A_580 = tpu.memref_slice %arg4[%add3A_578, %dma_wait3A_579] : memref<204800x128xf32, #tpu.memory_space<hbm>> -> memref<64x128xf32, #tpu.memory_space<hbm>>
      %dma_wait3A_581 = arith.constant 0 : i32
      %dma_wait3A_582 = tpu.memref_slice %arg4[%add3A_578, %dma_wait3A_581] : memref<204800x128xf32, #tpu.memory_space<hbm>> -> memref<64x128xf32, #tpu.memory_space<hbm>>
      tpu.wait_dma2 semaphore(%arg33 : memref<!tpu.dma_semaphore, #tpu.memory_space<semaphore_mem>>) src(%arg13 : memref<64x128xf32, #tpu.memory_space<vmem>>) dst(%dma_wait3A_582 : memref<64x128xf32, #tpu.memory_space<hbm>>)
      %add3A_583 = arith.constant 10 : i32
      %add3A_584 = arith.addi %mul3A_270, %add3A_583 : i32
      %add3A_585 = arith.constant 7 : i32
      %add3A_586 = arith.addi %add3A_584, %add3A_585 : i32
      %dma_start3A_587 = arith.constant 0 : i32
      %dma_start3A_588 = tpu.memref_slice %arg5[%add3A_586, %dma_start3A_587] : memref<100x64xi32, #tpu.memory_space<vmem>> -> memref<1x64xi32, #tpu.memory_space<vmem>>
      %dma_start3A_589 = tpu.memref_squeeze %dma_start3A_588 : memref<1x64xi32, #tpu.memory_space<vmem>> -> memref<64xi32, #tpu.memory_space<vmem>>
      %dma_start3A_590 = arith.constant 0 : i32
      %dma_start3A_591 = arith.constant 0 : i32
      %dma_start3A_592 = tpu.memref_slice %arg3[%dma_start3A_590, %dma_start3A_591] : memref<100000x128xf32, #tpu.memory_space<hbm>> -> memref<100000x128xf32, #tpu.memory_space<hbm>>
      tpu.enqueue_indirect_dma source(%dma_start3A_592 : memref<100000x128xf32, #tpu.memory_space<hbm>>) target(%arg13 : memref<64x128xf32, #tpu.memory_space<vmem>>) offsets(%dma_start3A_589 : memref<64xi32, #tpu.memory_space<vmem>>) semaphore(%arg23 : memref<!tpu.dma_semaphore, #tpu.memory_space<semaphore_mem>>)
      %add3A_593 = arith.constant 8 : i32
      %add3A_594 = arith.addi %mul3A_270, %add3A_593 : i32
      %mul3A_595 = arith.constant 64 : i32
      %mul3A_596 = arith.muli %add3A_594, %mul3A_595 : i32
      %add3A_597 = arith.addi %mul3A_2, %mul3A_596 : i32
      %dma_wait3A_598 = arith.constant 0 : i32
      %dma_wait3A_599 = tpu.memref_slice %arg4[%add3A_597, %dma_wait3A_598] : memref<204800x128xf32, #tpu.memory_space<hbm>> -> memref<64x128xf32, #tpu.memory_space<hbm>>
      %dma_wait3A_600 = arith.constant 0 : i32
      %dma_wait3A_601 = tpu.memref_slice %arg4[%add3A_597, %dma_wait3A_600] : memref<204800x128xf32, #tpu.memory_space<hbm>> -> memref<64x128xf32, #tpu.memory_space<hbm>>
      tpu.wait_dma2 semaphore(%arg34 : memref<!tpu.dma_semaphore, #tpu.memory_space<semaphore_mem>>) src(%arg14 : memref<64x128xf32, #tpu.memory_space<vmem>>) dst(%dma_wait3A_601 : memref<64x128xf32, #tpu.memory_space<hbm>>)
      %add3A_602 = arith.constant 10 : i32
      %add3A_603 = arith.addi %mul3A_270, %add3A_602 : i32
      %add3A_604 = arith.constant 8 : i32
      %add3A_605 = arith.addi %add3A_603, %add3A_604 : i32
      %dma_start3A_606 = arith.constant 0 : i32
      %dma_start3A_607 = tpu.memref_slice %arg5[%add3A_605, %dma_start3A_606] : memref<100x64xi32, #tpu.memory_space<vmem>> -> memref<1x64xi32, #tpu.memory_space<vmem>>
      %dma_start3A_608 = tpu.memref_squeeze %dma_start3A_607 : memref<1x64xi32, #tpu.memory_space<vmem>> -> memref<64xi32, #tpu.memory_space<vmem>>
      %dma_start3A_609 = arith.constant 0 : i32
      %dma_start3A_610 = arith.constant 0 : i32
      %dma_start3A_611 = tpu.memref_slice %arg3[%dma_start3A_609, %dma_start3A_610] : memref<100000x128xf32, #tpu.memory_space<hbm>> -> memref<100000x128xf32, #tpu.memory_space<hbm>>
      tpu.enqueue_indirect_dma source(%dma_start3A_611 : memref<100000x128xf32, #tpu.memory_space<hbm>>) target(%arg14 : memref<64x128xf32, #tpu.memory_space<vmem>>) offsets(%dma_start3A_608 : memref<64xi32, #tpu.memory_space<vmem>>) semaphore(%arg24 : memref<!tpu.dma_semaphore, #tpu.memory_space<semaphore_mem>>)
      %add3A_612 = arith.constant 9 : i32
      %add3A_613 = arith.addi %mul3A_270, %add3A_612 : i32
      %mul3A_614 = arith.constant 64 : i32
      %mul3A_615 = arith.muli %add3A_613, %mul3A_614 : i32
      %add3A_616 = arith.addi %mul3A_2, %mul3A_615 : i32
      %dma_wait3A_617 = arith.constant 0 : i32
      %dma_wait3A_618 = tpu.memref_slice %arg4[%add3A_616, %dma_wait3A_617] : memref<204800x128xf32, #tpu.memory_space<hbm>> -> memref<64x128xf32, #tpu.memory_space<hbm>>
      %dma_wait3A_619 = arith.constant 0 : i32
      %dma_wait3A_620 = tpu.memref_slice %arg4[%add3A_616, %dma_wait3A_619] : memref<204800x128xf32, #tpu.memory_space<hbm>> -> memref<64x128xf32, #tpu.memory_space<hbm>>
      tpu.wait_dma2 semaphore(%arg35 : memref<!tpu.dma_semaphore, #tpu.memory_space<semaphore_mem>>) src(%arg15 : memref<64x128xf32, #tpu.memory_space<vmem>>) dst(%dma_wait3A_620 : memref<64x128xf32, #tpu.memory_space<hbm>>)
      %add3A_621 = arith.constant 10 : i32
      %add3A_622 = arith.addi %mul3A_270, %add3A_621 : i32
      %add3A_623 = arith.constant 9 : i32
      %add3A_624 = arith.addi %add3A_622, %add3A_623 : i32
      %dma_start3A_625 = arith.constant 0 : i32
      %dma_start3A_626 = tpu.memref_slice %arg5[%add3A_624, %dma_start3A_625] : memref<100x64xi32, #tpu.memory_space<vmem>> -> memref<1x64xi32, #tpu.memory_space<vmem>>
      %dma_start3A_627 = tpu.memref_squeeze %dma_start3A_626 : memref<1x64xi32, #tpu.memory_space<vmem>> -> memref<64xi32, #tpu.memory_space<vmem>>
      %dma_start3A_628 = arith.constant 0 : i32
      %dma_start3A_629 = arith.constant 0 : i32
      %dma_start3A_630 = tpu.memref_slice %arg3[%dma_start3A_628, %dma_start3A_629] : memref<100000x128xf32, #tpu.memory_space<hbm>> -> memref<100000x128xf32, #tpu.memory_space<hbm>>
      tpu.enqueue_indirect_dma source(%dma_start3A_630 : memref<100000x128xf32, #tpu.memory_space<hbm>>) target(%arg15 : memref<64x128xf32, #tpu.memory_space<vmem>>) offsets(%dma_start3A_627 : memref<64xi32, #tpu.memory_space<vmem>>) semaphore(%arg25 : memref<!tpu.dma_semaphore, #tpu.memory_space<semaphore_mem>>)
      %scan3A_631 = arith.constant 0 : i32
      scf.yield %scan3A_631 : i32
    }
    %scan3A_77 = arith.constant 9 : i32
    %dma_wait3A = arith.constant 90 : i32
    %dma_wait3A_78 = arith.constant 0 : i32
    %dma_wait3A_79 = tpu.memref_slice %arg5[%dma_wait3A, %dma_wait3A_78] : memref<100x64xi32, #tpu.memory_space<vmem>> -> memref<1x64xi32, #tpu.memory_space<vmem>>
    %dma_wait3A_80 = tpu.memref_squeeze %dma_wait3A_79 : memref<1x64xi32, #tpu.memory_space<vmem>> -> memref<64xi32, #tpu.memory_space<vmem>>
    %dma_wait3A_81 = arith.constant 0 : i32
    %dma_wait3A_82 = arith.constant 0 : i32
    %dma_wait3A_83 = tpu.memref_slice %arg3[%dma_wait3A_81, %dma_wait3A_82] : memref<100000x128xf32, #tpu.memory_space<hbm>> -> memref<100000x128xf32, #tpu.memory_space<hbm>>
    tpu.wait_indirect_dma semaphore(%arg16 : memref<!tpu.dma_semaphore, #tpu.memory_space<semaphore_mem>>) src(%dma_wait3A_83 : memref<100000x128xf32, #tpu.memory_space<hbm>>) dst(%arg6 : memref<64x128xf32, #tpu.memory_space<vmem>>)
    %add3A_84 = arith.constant 5760 : i32
    %add3A_85 = arith.addi %mul3A_2, %add3A_84 : i32
    %dma_start3A_86 = arith.constant 0 : i32
    %dma_start3A_87 = tpu.memref_slice %arg4[%add3A_85, %dma_start3A_86] : memref<204800x128xf32, #tpu.memory_space<hbm>> -> memref<64x128xf32, #tpu.memory_space<hbm>>
    %dma_start3A_88 = arith.constant 0 : i32
    %dma_start3A_89 = tpu.memref_slice %arg4[%add3A_85, %dma_start3A_88] : memref<204800x128xf32, #tpu.memory_space<hbm>> -> memref<64x128xf32, #tpu.memory_space<hbm>>
    tpu.enqueue_dma source(%arg6 : memref<64x128xf32, #tpu.memory_space<vmem>>) target(%dma_start3A_89 : memref<64x128xf32, #tpu.memory_space<hbm>>) target_semaphore(%arg26 : memref<!tpu.dma_semaphore, #tpu.memory_space<semaphore_mem>>)
    %dma_wait3A_90 = arith.constant 91 : i32
    %dma_wait3A_91 = arith.constant 0 : i32
    %dma_wait3A_92 = tpu.memref_slice %arg5[%dma_wait3A_90, %dma_wait3A_91] : memref<100x64xi32, #tpu.memory_space<vmem>> -> memref<1x64xi32, #tpu.memory_space<vmem>>
    %dma_wait3A_93 = tpu.memref_squeeze %dma_wait3A_92 : memref<1x64xi32, #tpu.memory_space<vmem>> -> memref<64xi32, #tpu.memory_space<vmem>>
    %dma_wait3A_94 = arith.constant 0 : i32
    %dma_wait3A_95 = arith.constant 0 : i32
    %dma_wait3A_96 = tpu.memref_slice %arg3[%dma_wait3A_94, %dma_wait3A_95] : memref<100000x128xf32, #tpu.memory_space<hbm>> -> memref<100000x128xf32, #tpu.memory_space<hbm>>
    tpu.wait_indirect_dma semaphore(%arg17 : memref<!tpu.dma_semaphore, #tpu.memory_space<semaphore_mem>>) src(%dma_wait3A_96 : memref<100000x128xf32, #tpu.memory_space<hbm>>) dst(%arg7 : memref<64x128xf32, #tpu.memory_space<vmem>>)
    %add3A_97 = arith.constant 5824 : i32
    %add3A_98 = arith.addi %mul3A_2, %add3A_97 : i32
    %dma_start3A_99 = arith.constant 0 : i32
    %dma_start3A_100 = tpu.memref_slice %arg4[%add3A_98, %dma_start3A_99] : memref<204800x128xf32, #tpu.memory_space<hbm>> -> memref<64x128xf32, #tpu.memory_space<hbm>>
    %dma_start3A_101 = arith.constant 0 : i32
    %dma_start3A_102 = tpu.memref_slice %arg4[%add3A_98, %dma_start3A_101] : memref<204800x128xf32, #tpu.memory_space<hbm>> -> memref<64x128xf32, #tpu.memory_space<hbm>>
    tpu.enqueue_dma source(%arg7 : memref<64x128xf32, #tpu.memory_space<vmem>>) target(%dma_start3A_102 : memref<64x128xf32, #tpu.memory_space<hbm>>) target_semaphore(%arg27 : memref<!tpu.dma_semaphore, #tpu.memory_space<semaphore_mem>>)
    %dma_wait3A_103 = arith.constant 92 : i32
    %dma_wait3A_104 = arith.constant 0 : i32
    %dma_wait3A_105 = tpu.memref_slice %arg5[%dma_wait3A_103, %dma_wait3A_104] : memref<100x64xi32, #tpu.memory_space<vmem>> -> memref<1x64xi32, #tpu.memory_space<vmem>>
    %dma_wait3A_106 = tpu.memref_squeeze %dma_wait3A_105 : memref<1x64xi32, #tpu.memory_space<vmem>> -> memref<64xi32, #tpu.memory_space<vmem>>
    %dma_wait3A_107 = arith.constant 0 : i32
    %dma_wait3A_108 = arith.constant 0 : i32
    %dma_wait3A_109 = tpu.memref_slice %arg3[%dma_wait3A_107, %dma_wait3A_108] : memref<100000x128xf32, #tpu.memory_space<hbm>> -> memref<100000x128xf32, #tpu.memory_space<hbm>>
    tpu.wait_indirect_dma semaphore(%arg18 : memref<!tpu.dma_semaphore, #tpu.memory_space<semaphore_mem>>) src(%dma_wait3A_109 : memref<100000x128xf32, #tpu.memory_space<hbm>>) dst(%arg8 : memref<64x128xf32, #tpu.memory_space<vmem>>)
    %add3A_110 = arith.constant 5888 : i32
    %add3A_111 = arith.addi %mul3A_2, %add3A_110 : i32
    %dma_start3A_112 = arith.constant 0 : i32
    %dma_start3A_113 = tpu.memref_slice %arg4[%add3A_111, %dma_start3A_112] : memref<204800x128xf32, #tpu.memory_space<hbm>> -> memref<64x128xf32, #tpu.memory_space<hbm>>
    %dma_start3A_114 = arith.constant 0 : i32
    %dma_start3A_115 = tpu.memref_slice %arg4[%add3A_111, %dma_start3A_114] : memref<204800x128xf32, #tpu.memory_space<hbm>> -> memref<64x128xf32, #tpu.memory_space<hbm>>
    tpu.enqueue_dma source(%arg8 : memref<64x128xf32, #tpu.memory_space<vmem>>) target(%dma_start3A_115 : memref<64x128xf32, #tpu.memory_space<hbm>>) target_semaphore(%arg28 : memref<!tpu.dma_semaphore, #tpu.memory_space<semaphore_mem>>)
    %dma_wait3A_116 = arith.constant 93 : i32
    %dma_wait3A_117 = arith.constant 0 : i32
    %dma_wait3A_118 = tpu.memref_slice %arg5[%dma_wait3A_116, %dma_wait3A_117] : memref<100x64xi32, #tpu.memory_space<vmem>> -> memref<1x64xi32, #tpu.memory_space<vmem>>
    %dma_wait3A_119 = tpu.memref_squeeze %dma_wait3A_118 : memref<1x64xi32, #tpu.memory_space<vmem>> -> memref<64xi32, #tpu.memory_space<vmem>>
    %dma_wait3A_120 = arith.constant 0 : i32
    %dma_wait3A_121 = arith.constant 0 : i32
    %dma_wait3A_122 = tpu.memref_slice %arg3[%dma_wait3A_120, %dma_wait3A_121] : memref<100000x128xf32, #tpu.memory_space<hbm>> -> memref<100000x128xf32, #tpu.memory_space<hbm>>
    tpu.wait_indirect_dma semaphore(%arg19 : memref<!tpu.dma_semaphore, #tpu.memory_space<semaphore_mem>>) src(%dma_wait3A_122 : memref<100000x128xf32, #tpu.memory_space<hbm>>) dst(%arg9 : memref<64x128xf32, #tpu.memory_space<vmem>>)
    %add3A_123 = arith.constant 5952 : i32
    %add3A_124 = arith.addi %mul3A_2, %add3A_123 : i32
    %dma_start3A_125 = arith.constant 0 : i32
    %dma_start3A_126 = tpu.memref_slice %arg4[%add3A_124, %dma_start3A_125] : memref<204800x128xf32, #tpu.memory_space<hbm>> -> memref<64x128xf32, #tpu.memory_space<hbm>>
    %dma_start3A_127 = arith.constant 0 : i32
    %dma_start3A_128 = tpu.memref_slice %arg4[%add3A_124, %dma_start3A_127] : memref<204800x128xf32, #tpu.memory_space<hbm>> -> memref<64x128xf32, #tpu.memory_space<hbm>>
    tpu.enqueue_dma source(%arg9 : memref<64x128xf32, #tpu.memory_space<vmem>>) target(%dma_start3A_128 : memref<64x128xf32, #tpu.memory_space<hbm>>) target_semaphore(%arg29 : memref<!tpu.dma_semaphore, #tpu.memory_space<semaphore_mem>>)
    %dma_wait3A_129 = arith.constant 94 : i32
    %dma_wait3A_130 = arith.constant 0 : i32
    %dma_wait3A_131 = tpu.memref_slice %arg5[%dma_wait3A_129, %dma_wait3A_130] : memref<100x64xi32, #tpu.memory_space<vmem>> -> memref<1x64xi32, #tpu.memory_space<vmem>>
    %dma_wait3A_132 = tpu.memref_squeeze %dma_wait3A_131 : memref<1x64xi32, #tpu.memory_space<vmem>> -> memref<64xi32, #tpu.memory_space<vmem>>
    %dma_wait3A_133 = arith.constant 0 : i32
    %dma_wait3A_134 = arith.constant 0 : i32
    %dma_wait3A_135 = tpu.memref_slice %arg3[%dma_wait3A_133, %dma_wait3A_134] : memref<100000x128xf32, #tpu.memory_space<hbm>> -> memref<100000x128xf32, #tpu.memory_space<hbm>>
    tpu.wait_indirect_dma semaphore(%arg20 : memref<!tpu.dma_semaphore, #tpu.memory_space<semaphore_mem>>) src(%dma_wait3A_135 : memref<100000x128xf32, #tpu.memory_space<hbm>>) dst(%arg10 : memref<64x128xf32, #tpu.memory_space<vmem>>)
    %add3A_136 = arith.constant 6016 : i32
    %add3A_137 = arith.addi %mul3A_2, %add3A_136 : i32
    %dma_start3A_138 = arith.constant 0 : i32
    %dma_start3A_139 = tpu.memref_slice %arg4[%add3A_137, %dma_start3A_138] : memref<204800x128xf32, #tpu.memory_space<hbm>> -> memref<64x128xf32, #tpu.memory_space<hbm>>
    %dma_start3A_140 = arith.constant 0 : i32
    %dma_start3A_141 = tpu.memref_slice %arg4[%add3A_137, %dma_start3A_140] : memref<204800x128xf32, #tpu.memory_space<hbm>> -> memref<64x128xf32, #tpu.memory_space<hbm>>
    tpu.enqueue_dma source(%arg10 : memref<64x128xf32, #tpu.memory_space<vmem>>) target(%dma_start3A_141 : memref<64x128xf32, #tpu.memory_space<hbm>>) target_semaphore(%arg30 : memref<!tpu.dma_semaphore, #tpu.memory_space<semaphore_mem>>)
    %dma_wait3A_142 = arith.constant 95 : i32
    %dma_wait3A_143 = arith.constant 0 : i32
    %dma_wait3A_144 = tpu.memref_slice %arg5[%dma_wait3A_142, %dma_wait3A_143] : memref<100x64xi32, #tpu.memory_space<vmem>> -> memref<1x64xi32, #tpu.memory_space<vmem>>
    %dma_wait3A_145 = tpu.memref_squeeze %dma_wait3A_144 : memref<1x64xi32, #tpu.memory_space<vmem>> -> memref<64xi32, #tpu.memory_space<vmem>>
    %dma_wait3A_146 = arith.constant 0 : i32
    %dma_wait3A_147 = arith.constant 0 : i32
    %dma_wait3A_148 = tpu.memref_slice %arg3[%dma_wait3A_146, %dma_wait3A_147] : memref<100000x128xf32, #tpu.memory_space<hbm>> -> memref<100000x128xf32, #tpu.memory_space<hbm>>
    tpu.wait_indirect_dma semaphore(%arg21 : memref<!tpu.dma_semaphore, #tpu.memory_space<semaphore_mem>>) src(%dma_wait3A_148 : memref<100000x128xf32, #tpu.memory_space<hbm>>) dst(%arg11 : memref<64x128xf32, #tpu.memory_space<vmem>>)
    %add3A_149 = arith.constant 6080 : i32
    %add3A_150 = arith.addi %mul3A_2, %add3A_149 : i32
    %dma_start3A_151 = arith.constant 0 : i32
    %dma_start3A_152 = tpu.memref_slice %arg4[%add3A_150, %dma_start3A_151] : memref<204800x128xf32, #tpu.memory_space<hbm>> -> memref<64x128xf32, #tpu.memory_space<hbm>>
    %dma_start3A_153 = arith.constant 0 : i32
    %dma_start3A_154 = tpu.memref_slice %arg4[%add3A_150, %dma_start3A_153] : memref<204800x128xf32, #tpu.memory_space<hbm>> -> memref<64x128xf32, #tpu.memory_space<hbm>>
    tpu.enqueue_dma source(%arg11 : memref<64x128xf32, #tpu.memory_space<vmem>>) target(%dma_start3A_154 : memref<64x128xf32, #tpu.memory_space<hbm>>) target_semaphore(%arg31 : memref<!tpu.dma_semaphore, #tpu.memory_space<semaphore_mem>>)
    %dma_wait3A_155 = arith.constant 96 : i32
    %dma_wait3A_156 = arith.constant 0 : i32
    %dma_wait3A_157 = tpu.memref_slice %arg5[%dma_wait3A_155, %dma_wait3A_156] : memref<100x64xi32, #tpu.memory_space<vmem>> -> memref<1x64xi32, #tpu.memory_space<vmem>>
    %dma_wait3A_158 = tpu.memref_squeeze %dma_wait3A_157 : memref<1x64xi32, #tpu.memory_space<vmem>> -> memref<64xi32, #tpu.memory_space<vmem>>
    %dma_wait3A_159 = arith.constant 0 : i32
    %dma_wait3A_160 = arith.constant 0 : i32
    %dma_wait3A_161 = tpu.memref_slice %arg3[%dma_wait3A_159, %dma_wait3A_160] : memref<100000x128xf32, #tpu.memory_space<hbm>> -> memref<100000x128xf32, #tpu.memory_space<hbm>>
    tpu.wait_indirect_dma semaphore(%arg22 : memref<!tpu.dma_semaphore, #tpu.memory_space<semaphore_mem>>) src(%dma_wait3A_161 : memref<100000x128xf32, #tpu.memory_space<hbm>>) dst(%arg12 : memref<64x128xf32, #tpu.memory_space<vmem>>)
    %add3A_162 = arith.constant 6144 : i32
    %add3A_163 = arith.addi %mul3A_2, %add3A_162 : i32
    %dma_start3A_164 = arith.constant 0 : i32
    %dma_start3A_165 = tpu.memref_slice %arg4[%add3A_163, %dma_start3A_164] : memref<204800x128xf32, #tpu.memory_space<hbm>> -> memref<64x128xf32, #tpu.memory_space<hbm>>
    %dma_start3A_166 = arith.constant 0 : i32
    %dma_start3A_167 = tpu.memref_slice %arg4[%add3A_163, %dma_start3A_166] : memref<204800x128xf32, #tpu.memory_space<hbm>> -> memref<64x128xf32, #tpu.memory_space<hbm>>
    tpu.enqueue_dma source(%arg12 : memref<64x128xf32, #tpu.memory_space<vmem>>) target(%dma_start3A_167 : memref<64x128xf32, #tpu.memory_space<hbm>>) target_semaphore(%arg32 : memref<!tpu.dma_semaphore, #tpu.memory_space<semaphore_mem>>)
    %dma_wait3A_168 = arith.constant 97 : i32
    %dma_wait3A_169 = arith.constant 0 : i32
    %dma_wait3A_170 = tpu.memref_slice %arg5[%dma_wait3A_168, %dma_wait3A_169] : memref<100x64xi32, #tpu.memory_space<vmem>> -> memref<1x64xi32, #tpu.memory_space<vmem>>
    %dma_wait3A_171 = tpu.memref_squeeze %dma_wait3A_170 : memref<1x64xi32, #tpu.memory_space<vmem>> -> memref<64xi32, #tpu.memory_space<vmem>>
    %dma_wait3A_172 = arith.constant 0 : i32
    %dma_wait3A_173 = arith.constant 0 : i32
    %dma_wait3A_174 = tpu.memref_slice %arg3[%dma_wait3A_172, %dma_wait3A_173] : memref<100000x128xf32, #tpu.memory_space<hbm>> -> memref<100000x128xf32, #tpu.memory_space<hbm>>
    tpu.wait_indirect_dma semaphore(%arg23 : memref<!tpu.dma_semaphore, #tpu.memory_space<semaphore_mem>>) src(%dma_wait3A_174 : memref<100000x128xf32, #tpu.memory_space<hbm>>) dst(%arg13 : memref<64x128xf32, #tpu.memory_space<vmem>>)
    %add3A_175 = arith.constant 6208 : i32
    %add3A_176 = arith.addi %mul3A_2, %add3A_175 : i32
    %dma_start3A_177 = arith.constant 0 : i32
    %dma_start3A_178 = tpu.memref_slice %arg4[%add3A_176, %dma_start3A_177] : memref<204800x128xf32, #tpu.memory_space<hbm>> -> memref<64x128xf32, #tpu.memory_space<hbm>>
    %dma_start3A_179 = arith.constant 0 : i32
    %dma_start3A_180 = tpu.memref_slice %arg4[%add3A_176, %dma_start3A_179] : memref<204800x128xf32, #tpu.memory_space<hbm>> -> memref<64x128xf32, #tpu.memory_space<hbm>>
    tpu.enqueue_dma source(%arg13 : memref<64x128xf32, #tpu.memory_space<vmem>>) target(%dma_start3A_180 : memref<64x128xf32, #tpu.memory_space<hbm>>) target_semaphore(%arg33 : memref<!tpu.dma_semaphore, #tpu.memory_space<semaphore_mem>>)
    %dma_wait3A_181 = arith.constant 98 : i32
    %dma_wait3A_182 = arith.constant 0 : i32
    %dma_wait3A_183 = tpu.memref_slice %arg5[%dma_wait3A_181, %dma_wait3A_182] : memref<100x64xi32, #tpu.memory_space<vmem>> -> memref<1x64xi32, #tpu.memory_space<vmem>>
    %dma_wait3A_184 = tpu.memref_squeeze %dma_wait3A_183 : memref<1x64xi32, #tpu.memory_space<vmem>> -> memref<64xi32, #tpu.memory_space<vmem>>
    %dma_wait3A_185 = arith.constant 0 : i32
    %dma_wait3A_186 = arith.constant 0 : i32
    %dma_wait3A_187 = tpu.memref_slice %arg3[%dma_wait3A_185, %dma_wait3A_186] : memref<100000x128xf32, #tpu.memory_space<hbm>> -> memref<100000x128xf32, #tpu.memory_space<hbm>>
    tpu.wait_indirect_dma semaphore(%arg24 : memref<!tpu.dma_semaphore, #tpu.memory_space<semaphore_mem>>) src(%dma_wait3A_187 : memref<100000x128xf32, #tpu.memory_space<hbm>>) dst(%arg14 : memref<64x128xf32, #tpu.memory_space<vmem>>)
    %add3A_188 = arith.constant 6272 : i32
    %add3A_189 = arith.addi %mul3A_2, %add3A_188 : i32
    %dma_start3A_190 = arith.constant 0 : i32
    %dma_start3A_191 = tpu.memref_slice %arg4[%add3A_189, %dma_start3A_190] : memref<204800x128xf32, #tpu.memory_space<hbm>> -> memref<64x128xf32, #tpu.memory_space<hbm>>
    %dma_start3A_192 = arith.constant 0 : i32
    %dma_start3A_193 = tpu.memref_slice %arg4[%add3A_189, %dma_start3A_192] : memref<204800x128xf32, #tpu.memory_space<hbm>> -> memref<64x128xf32, #tpu.memory_space<hbm>>
    tpu.enqueue_dma source(%arg14 : memref<64x128xf32, #tpu.memory_space<vmem>>) target(%dma_start3A_193 : memref<64x128xf32, #tpu.memory_space<hbm>>) target_semaphore(%arg34 : memref<!tpu.dma_semaphore, #tpu.memory_space<semaphore_mem>>)
    %dma_wait3A_194 = arith.constant 99 : i32
    %dma_wait3A_195 = arith.constant 0 : i32
    %dma_wait3A_196 = tpu.memref_slice %arg5[%dma_wait3A_194, %dma_wait3A_195] : memref<100x64xi32, #tpu.memory_space<vmem>> -> memref<1x64xi32, #tpu.memory_space<vmem>>
    %dma_wait3A_197 = tpu.memref_squeeze %dma_wait3A_196 : memref<1x64xi32, #tpu.memory_space<vmem>> -> memref<64xi32, #tpu.memory_space<vmem>>
    %dma_wait3A_198 = arith.constant 0 : i32
    %dma_wait3A_199 = arith.constant 0 : i32
    %dma_wait3A_200 = tpu.memref_slice %arg3[%dma_wait3A_198, %dma_wait3A_199] : memref<100000x128xf32, #tpu.memory_space<hbm>> -> memref<100000x128xf32, #tpu.memory_space<hbm>>
    tpu.wait_indirect_dma semaphore(%arg25 : memref<!tpu.dma_semaphore, #tpu.memory_space<semaphore_mem>>) src(%dma_wait3A_200 : memref<100000x128xf32, #tpu.memory_space<hbm>>) dst(%arg15 : memref<64x128xf32, #tpu.memory_space<vmem>>)
    %add3A_201 = arith.constant 6336 : i32
    %add3A_202 = arith.addi %mul3A_2, %add3A_201 : i32
    %dma_start3A_203 = arith.constant 0 : i32
    %dma_start3A_204 = tpu.memref_slice %arg4[%add3A_202, %dma_start3A_203] : memref<204800x128xf32, #tpu.memory_space<hbm>> -> memref<64x128xf32, #tpu.memory_space<hbm>>
    %dma_start3A_205 = arith.constant 0 : i32
    %dma_start3A_206 = tpu.memref_slice %arg4[%add3A_202, %dma_start3A_205] : memref<204800x128xf32, #tpu.memory_space<hbm>> -> memref<64x128xf32, #tpu.memory_space<hbm>>
    tpu.enqueue_dma source(%arg15 : memref<64x128xf32, #tpu.memory_space<vmem>>) target(%dma_start3A_206 : memref<64x128xf32, #tpu.memory_space<hbm>>) target_semaphore(%arg35 : memref<!tpu.dma_semaphore, #tpu.memory_space<semaphore_mem>>)
    %add3A_207 = arith.constant 5760 : i32
    %add3A_208 = arith.addi %mul3A_2, %add3A_207 : i32
    %dma_wait3A_209 = arith.constant 0 : i32
    %dma_wait3A_210 = tpu.memref_slice %arg4[%add3A_208, %dma_wait3A_209] : memref<204800x128xf32, #tpu.memory_space<hbm>> -> memref<64x128xf32, #tpu.memory_space<hbm>>
    %dma_wait3A_211 = arith.constant 0 : i32
    %dma_wait3A_212 = tpu.memref_slice %arg4[%add3A_208, %dma_wait3A_211] : memref<204800x128xf32, #tpu.memory_space<hbm>> -> memref<64x128xf32, #tpu.memory_space<hbm>>
    tpu.wait_dma2 semaphore(%arg26 : memref<!tpu.dma_semaphore, #tpu.memory_space<semaphore_mem>>) src(%arg6 : memref<64x128xf32, #tpu.memory_space<vmem>>) dst(%dma_wait3A_212 : memref<64x128xf32, #tpu.memory_space<hbm>>)
    %add3A_213 = arith.constant 5824 : i32
    %add3A_214 = arith.addi %mul3A_2, %add3A_213 : i32
    %dma_wait3A_215 = arith.constant 0 : i32
    %dma_wait3A_216 = tpu.memref_slice %arg4[%add3A_214, %dma_wait3A_215] : memref<204800x128xf32, #tpu.memory_space<hbm>> -> memref<64x128xf32, #tpu.memory_space<hbm>>
    %dma_wait3A_217 = arith.constant 0 : i32
    %dma_wait3A_218 = tpu.memref_slice %arg4[%add3A_214, %dma_wait3A_217] : memref<204800x128xf32, #tpu.memory_space<hbm>> -> memref<64x128xf32, #tpu.memory_space<hbm>>
    tpu.wait_dma2 semaphore(%arg27 : memref<!tpu.dma_semaphore, #tpu.memory_space<semaphore_mem>>) src(%arg7 : memref<64x128xf32, #tpu.memory_space<vmem>>) dst(%dma_wait3A_218 : memref<64x128xf32, #tpu.memory_space<hbm>>)
    %add3A_219 = arith.constant 5888 : i32
    %add3A_220 = arith.addi %mul3A_2, %add3A_219 : i32
    %dma_wait3A_221 = arith.constant 0 : i32
    %dma_wait3A_222 = tpu.memref_slice %arg4[%add3A_220, %dma_wait3A_221] : memref<204800x128xf32, #tpu.memory_space<hbm>> -> memref<64x128xf32, #tpu.memory_space<hbm>>
    %dma_wait3A_223 = arith.constant 0 : i32
    %dma_wait3A_224 = tpu.memref_slice %arg4[%add3A_220, %dma_wait3A_223] : memref<204800x128xf32, #tpu.memory_space<hbm>> -> memref<64x128xf32, #tpu.memory_space<hbm>>
    tpu.wait_dma2 semaphore(%arg28 : memref<!tpu.dma_semaphore, #tpu.memory_space<semaphore_mem>>) src(%arg8 : memref<64x128xf32, #tpu.memory_space<vmem>>) dst(%dma_wait3A_224 : memref<64x128xf32, #tpu.memory_space<hbm>>)
    %add3A_225 = arith.constant 5952 : i32
    %add3A_226 = arith.addi %mul3A_2, %add3A_225 : i32
    %dma_wait3A_227 = arith.constant 0 : i32
    %dma_wait3A_228 = tpu.memref_slice %arg4[%add3A_226, %dma_wait3A_227] : memref<204800x128xf32, #tpu.memory_space<hbm>> -> memref<64x128xf32, #tpu.memory_space<hbm>>
    %dma_wait3A_229 = arith.constant 0 : i32
    %dma_wait3A_230 = tpu.memref_slice %arg4[%add3A_226, %dma_wait3A_229] : memref<204800x128xf32, #tpu.memory_space<hbm>> -> memref<64x128xf32, #tpu.memory_space<hbm>>
    tpu.wait_dma2 semaphore(%arg29 : memref<!tpu.dma_semaphore, #tpu.memory_space<semaphore_mem>>) src(%arg9 : memref<64x128xf32, #tpu.memory_space<vmem>>) dst(%dma_wait3A_230 : memref<64x128xf32, #tpu.memory_space<hbm>>)
    %add3A_231 = arith.constant 6016 : i32
    %add3A_232 = arith.addi %mul3A_2, %add3A_231 : i32
    %dma_wait3A_233 = arith.constant 0 : i32
    %dma_wait3A_234 = tpu.memref_slice %arg4[%add3A_232, %dma_wait3A_233] : memref<204800x128xf32, #tpu.memory_space<hbm>> -> memref<64x128xf32, #tpu.memory_space<hbm>>
    %dma_wait3A_235 = arith.constant 0 : i32
    %dma_wait3A_236 = tpu.memref_slice %arg4[%add3A_232, %dma_wait3A_235] : memref<204800x128xf32, #tpu.memory_space<hbm>> -> memref<64x128xf32, #tpu.memory_space<hbm>>
    tpu.wait_dma2 semaphore(%arg30 : memref<!tpu.dma_semaphore, #tpu.memory_space<semaphore_mem>>) src(%arg10 : memref<64x128xf32, #tpu.memory_space<vmem>>) dst(%dma_wait3A_236 : memref<64x128xf32, #tpu.memory_space<hbm>>)
    %add3A_237 = arith.constant 6080 : i32
    %add3A_238 = arith.addi %mul3A_2, %add3A_237 : i32
    %dma_wait3A_239 = arith.constant 0 : i32
    %dma_wait3A_240 = tpu.memref_slice %arg4[%add3A_238, %dma_wait3A_239] : memref<204800x128xf32, #tpu.memory_space<hbm>> -> memref<64x128xf32, #tpu.memory_space<hbm>>
    %dma_wait3A_241 = arith.constant 0 : i32
    %dma_wait3A_242 = tpu.memref_slice %arg4[%add3A_238, %dma_wait3A_241] : memref<204800x128xf32, #tpu.memory_space<hbm>> -> memref<64x128xf32, #tpu.memory_space<hbm>>
    tpu.wait_dma2 semaphore(%arg31 : memref<!tpu.dma_semaphore, #tpu.memory_space<semaphore_mem>>) src(%arg11 : memref<64x128xf32, #tpu.memory_space<vmem>>) dst(%dma_wait3A_242 : memref<64x128xf32, #tpu.memory_space<hbm>>)
    %add3A_243 = arith.constant 6144 : i32
    %add3A_244 = arith.addi %mul3A_2, %add3A_243 : i32
    %dma_wait3A_245 = arith.constant 0 : i32
    %dma_wait3A_246 = tpu.memref_slice %arg4[%add3A_244, %dma_wait3A_245] : memref<204800x128xf32, #tpu.memory_space<hbm>> -> memref<64x128xf32, #tpu.memory_space<hbm>>
    %dma_wait3A_247 = arith.constant 0 : i32
    %dma_wait3A_248 = tpu.memref_slice %arg4[%add3A_244, %dma_wait3A_247] : memref<204800x128xf32, #tpu.memory_space<hbm>> -> memref<64x128xf32, #tpu.memory_space<hbm>>
    tpu.wait_dma2 semaphore(%arg32 : memref<!tpu.dma_semaphore, #tpu.memory_space<semaphore_mem>>) src(%arg12 : memref<64x128xf32, #tpu.memory_space<vmem>>) dst(%dma_wait3A_248 : memref<64x128xf32, #tpu.memory_space<hbm>>)
    %add3A_249 = arith.constant 6208 : i32
    %add3A_250 = arith.addi %mul3A_2, %add3A_249 : i32
    %dma_wait3A_251 = arith.constant 0 : i32
    %dma_wait3A_252 = tpu.memref_slice %arg4[%add3A_250, %dma_wait3A_251] : memref<204800x128xf32, #tpu.memory_space<hbm>> -> memref<64x128xf32, #tpu.memory_space<hbm>>
    %dma_wait3A_253 = arith.constant 0 : i32
    %dma_wait3A_254 = tpu.memref_slice %arg4[%add3A_250, %dma_wait3A_253] : memref<204800x128xf32, #tpu.memory_space<hbm>> -> memref<64x128xf32, #tpu.memory_space<hbm>>
    tpu.wait_dma2 semaphore(%arg33 : memref<!tpu.dma_semaphore, #tpu.memory_space<semaphore_mem>>) src(%arg13 : memref<64x128xf32, #tpu.memory_space<vmem>>) dst(%dma_wait3A_254 : memref<64x128xf32, #tpu.memory_space<hbm>>)
    %add3A_255 = arith.constant 6272 : i32
    %add3A_256 = arith.addi %mul3A_2, %add3A_255 : i32
    %dma_wait3A_257 = arith.constant 0 : i32
    %dma_wait3A_258 = tpu.memref_slice %arg4[%add3A_256, %dma_wait3A_257] : memref<204800x128xf32, #tpu.memory_space<hbm>> -> memref<64x128xf32, #tpu.memory_space<hbm>>
    %dma_wait3A_259 = arith.constant 0 : i32
    %dma_wait3A_260 = tpu.memref_slice %arg4[%add3A_256, %dma_wait3A_259] : memref<204800x128xf32, #tpu.memory_space<hbm>> -> memref<64x128xf32, #tpu.memory_space<hbm>>
    tpu.wait_dma2 semaphore(%arg34 : memref<!tpu.dma_semaphore, #tpu.memory_space<semaphore_mem>>) src(%arg14 : memref<64x128xf32, #tpu.memory_space<vmem>>) dst(%dma_wait3A_260 : memref<64x128xf32, #tpu.memory_space<hbm>>)
    %add3A_261 = arith.constant 6336 : i32
    %add3A_262 = arith.addi %mul3A_2, %add3A_261 : i32
    %dma_wait3A_263 = arith.constant 0 : i32
    %dma_wait3A_264 = tpu.memref_slice %arg4[%add3A_262, %dma_wait3A_263] : memref<204800x128xf32, #tpu.memory_space<hbm>> -> memref<64x128xf32, #tpu.memory_space<hbm>>
    %dma_wait3A_265 = arith.constant 0 : i32
    %dma_wait3A_266 = tpu.memref_slice %arg4[%add3A_262, %dma_wait3A_265] : memref<204800x128xf32, #tpu.memory_space<hbm>> -> memref<64x128xf32, #tpu.memory_space<hbm>>
    tpu.wait_dma2 semaphore(%arg35 : memref<!tpu.dma_semaphore, #tpu.memory_space<semaphore_mem>>) src(%arg15 : memref<64x128xf32, #tpu.memory_space<vmem>>) dst(%dma_wait3A_266 : memref<64x128xf32, #tpu.memory_space<hbm>>)
    return
  }
}

</mosaic_0001>

<sc_bundles>
// kernel: kernel.3.cloned.1.call-start
scs
__scs_entry_jumppad:
0x0: {  	(pc) =	sbr.rel $0x88, $3  }
0x1: {  	(tag) =	ssettag $0x0;
	lr =	simm.s32 $0x1  }
0x2: {  	[smem:$0x3F9F] =	sst lr;
	_ =	strace $0xD0000000  }
0x3: {  	_ = 	snop  }
0x4: {  	_ = 	snop  }
0x5: {  	_ = 	snop  }
0x6: {  	_ = 	snop  }
0x7: {  	_ = 	snop  }
__scs_overlays_trampoline_lowered:
0x8: {  	[smem:$0x3FAE] =	sst s0  }
0x9: {  	[smem:$0x3FAF] =	sst s1  }
0xa: {  	[smem:$0x3FB0] =	sst s2  }
0xb: {  	[smem:$0x3FB1] =	sst s3  }
0xc: {  	[smem:$0x3FB2] =	sst s4  }
0xd: {  	[smem:$0x3FB3] =	sst s5  }
0xe: {  	[smem:$0x3FB4] =	sst s6  }
0xf: {  	[smem:$0x3FB5] =	sst s7  }
0x10: {  	[smem:$0x3FB6] =	sst s8  }
0x11: {  	[smem:$0x3FB7] =	sst s9;
	s0 =	simm.s32 @!p0 $0x0  }
0x12: {  	s1 =	sld [smem:$0x3F9D];
	s0 =	simm.s32 @p0 $0x1  }
0x13: {  	[smem:$0x3FB8] =	sst s0;
	s0 =	simm.s32 @!p1 $0x0  }
0x14: {  	s2 =	sld [smem:$0x3F9C];
	s0 =	simm.s32 @p1 $0x1  }
0x15: {  	[smem:$0x3FB9] =	sst s0;
	s0 =	simm.s32 @!p2 $0x0  }
0x16: {  	s3 =	sld [smem:$0x3FDB];
	s0 =	simm.s32 @p2 $0x1  }
0x17: {  	s4 =	simm.s32 $0x1BF5;
	[smem:$0x3FBB] =	sst s0  }
0x18: {  	s0 =	sld [smem:$0x3F9E];
	_ =	swait.ge [sflag:s4], $0x0  }
0x19: {  	s7 =	sld [smem:$0x3F9F]  }
0x1a: {  	s8 =	sadd.s32 $0xFFFFE003, lr  }
0x1b: {  	s9 =	sadd.s32 $0xFFFFFEF7, lr;
	s5 =	simm.s32 $0xFFFFFFFF;
	p2 =	slt.u32 s8, $0xFFFFF086  }
0x1c: {  	p1 =	slt.u32 s9, $0xF7A;
	s5 =	simm.s32 @!p2 $0x0  }
0x1d: {  	s5 =	simm.s32 @p1 $0x1;
	p0 =	seq.s32 s7, s2  }
0x1e: {  	s7 =	smul.u32 @!p0 $0xF7A, s2;
	p2 =	seq.s32 @!p0 s5, $0x0  }
0x1f: {  	s9 =	smul.u32 $0xF7A, s1;
	s8 =	simm.s32 @!p0 $0x1BF5;
	p2 =	por !p2, p0  }
0x20: {  	[sflag:s8] =	ssyncset.s32 @!p0 $0xFFFFF086;
	s6 =	sadd.s32 @!p0 s3, s7;
	s7 =	simm.s32 @!p0 $0x108  }
0x21: {  	s3 =	sadd.s32 s3, s9;
	s6 =	sadd.s32 @!p0 $0x88, s6;
	s7 =	simm.s32 @p2 $0x1082  }
0x22: {  	[simem:s7], [sflag:s8] =	dma.local @!p0 [hbm:s6], $0xF7A  }
0x23: {  	s9 =	sor.u32 $0xD0000000, s2;
	s6 =	simm.s32 $0x108;
	_ =	swait.ge @!p0 [sflag:s8], $0x0  }
0x24: {  	s3 =	sadd.s32 $0x88, s3;
	s6 =	simm.s32 @!p1 $0x1082;
	[sflag:s4] =	ssyncset.s32 $0xFFFFF086  }
0x25: {  	[simem:s6], [sflag:s4] =	dma.local [hbm:s3], $0xF7A  }
0x26: {  	[smem:$0x3F9F] =	sst s1;
	(tag) =	ssettag s2;
	_ =	strace s9  }
0x27: {  	s1 =	sld [smem:$0x3FAF]  }
0x28: {  	s2 =	sld [smem:$0x3FB0]  }
0x29: {  	s4 =	sld [smem:$0x3FB2]  }
0x2a: {  	p0 =	seq.s32 s5, $0x0;
	s5 =	sld [smem:$0x3FB3]  }
0x2b: {  	s6 =	sld [smem:$0x3FB4]  }
0x2c: {  	s7 =	sld [smem:$0x3FB5]  }
0x2d: {  	s3 =	simm.s32 $0x108;
	s8 =	sld [smem:$0x3FB6]  }
0x2e: {  	s3 =	simm.s32 @!p0 $0x1082;
	s9 =	sld [smem:$0x3FB7]  }
0x2f: {  	lr =	sadd.s32 s0, s3;
	s0 =	sld [smem:$0x3FAE]  }
0x30: {  	s3 =	sld [smem:$0x3FB1]  }
0x31: {  	[smem:$0x3FBA] =	sst s10  }
0x32: {  	s10 =	sld [smem:$0x3FB8];
	_ =	sdelay $0x3  }
0x33: {  	p0 =	seq.s32 s10, $0x1;
	s10 =	sld [smem:$0x3FBA];
	_ =	sdelay $0x3  }
0x34: {  	[smem:$0x3FBA] =	sst s10  }
0x35: {  	s10 =	sld [smem:$0x3FB9];
	_ =	sdelay $0x3  }
0x36: {  	p1 =	seq.s32 s10, $0x1;
	s10 =	sld [smem:$0x3FBA];
	_ =	sdelay $0x3  }
0x37: {  	[smem:$0x3FBA] =	sst s10  }
0x38: {  	s10 =	sld [smem:$0x3FBB]  }
0x39: {  	_ = 	snop;
	(pc) =	sbr.ind lr, $3  }
0x3a: {  	_ = 	snop  }
0x3b: {  	_ = 	snop  }
0x3c: {  	p2 =	seq.s32 s10, $0x1;
	s10 =	sld [smem:$0x3FBA]  }
0x3d: {  	_ =	shalt  }
0x3e: {  	_ =	shalt  }
0x3f: {  	_ =	shalt  }
0x40: {  	_ =	shalt  }
0x41: {  	_ =	shalt  }
0x42: {  	_ =	shalt  }
0x43: {  	_ =	shalt  }
0x44: {  	_ =	shalt  }
0x45: {  	_ =	shalt  }
0x46: {  	_ =	shalt  }
0x47: {  	_ =	shalt  }
0x48: {  	_ =	shalt  }
0x49: {  	_ =	shalt  }
0x4a: {  	_ =	shalt  }
0x4b: {  	_ =	shalt  }
0x4c: {  	_ =	shalt  }
0x4d: {  	_ =	shalt  }
0x4e: {  	_ =	shalt  }
0x4f: {  	_ =	shalt  }
0x50: {  	_ =	shalt  }
0x51: {  	_ =	shalt  }
0x52: {  	_ =	shalt  }
0x53: {  	_ =	shalt  }
0x54: {  	_ =	shalt  }
0x55: {  	_ =	shalt  }
0x56: {  	_ =	shalt  }
0x57: {  	_ =	shalt  }
0x58: {  	_ =	shalt  }
0x59: {  	_ =	shalt  }
0x5a: {  	_ =	shalt  }
0x5b: {  	_ =	shalt  }
0x5c: {  	_ =	shalt  }
0x5d: {  	_ =	shalt  }
0x5e: {  	_ =	shalt  }
0x5f: {  	_ =	shalt  }
0x60: {  	_ =	shalt  }
0x61: {  	_ =	shalt  }
0x62: {  	_ =	shalt  }
0x63: {  	_ =	shalt  }
0x64: {  	_ =	shalt  }
0x65: {  	_ =	shalt  }
0x66: {  	_ =	shalt  }
0x67: {  	_ =	shalt  }
0x68: {  	_ =	shalt  }
0x69: {  	_ =	shalt  }
0x6a: {  	_ =	shalt  }
0x6b: {  	_ =	shalt  }
0x6c: {  	_ =	shalt  }
0x6d: {  	_ =	shalt  }
0x6e: {  	_ =	shalt  }
0x6f: {  	_ =	shalt  }
0x70: {  	_ =	shalt  }
0x71: {  	_ =	shalt  }
0x72: {  	_ =	shalt  }
0x73: {  	_ =	shalt  }
0x74: {  	_ =	shalt  }
0x75: {  	_ =	shalt  }
0x76: {  	_ =	shalt  }
0x77: {  	_ =	shalt  }
0x78: {  	_ =	shalt  }
0x79: {  	_ =	shalt  }
0x7a: {  	_ =	shalt  }
0x7b: {  	_ =	shalt  }
0x7c: {  	_ =	shalt  }
0x7d: {  	_ =	shalt  }
0x7e: {  	_ =	shalt  }
0x7f: {  	_ =	shalt  }
0x80: {  	_ =	shalt  }
0x81: {  	_ =	shalt  }
0x82: {  	_ =	shalt  }
0x83: {  	_ =	shalt  }
0x84: {  	_ =	shalt  }
0x85: {  	_ =	shalt  }
0x86: {  	_ =	shalt  }
0x87: {  	_ =	shalt  }
.Lfunc_end0:
.L_simem_size_0:
called_computation_lowered:
.L_overlay_start_0:
0x88: {  	s2 =	sld [smem:$0x3FD9]  }
0x89: {  	s3 =	sld [smem:$0x3FFE];
	_ =	sdelay $0x1  }
0x8a: {  	s1 =	srdreg.scid  }
0x8b: {  	s0 =	sand.u32 $0x1, s1  }
0x8c: {  	s17 =	sshll.u32 s0, $0xA;
	s2 =	sadd.s32 s3, s2  }
0x8d: {  	s2 =	sadd.s32 s2, s17  }
0x8e: {  	[smem:$0x3FC6] =	sst s2  }
0x8f: {  	_ = 	snop  }
0x90: {  	s2 =	sld [smem:$0x3FC8]  }
0x91: {  	s18 =	sld [smem:$0x3FD0];
	(tm) =	ssettm $0x1  }
0x92: {  	s4 =	sld [smem:$0x3FFB];
	_ =	sdelay $0x3  }
0x93: {  	_ =	strace s4  }
0x94: {  	s4 =	sld [smem:$0x3FFC];
	_ =	sdelay $0x3  }
0x95: {  	_ =	strace s4  }
0x96: {  	s4 =	sld [smem:$0x3FFD];
	_ =	sdelay $0x3  }
0x97: {  	_ =	strace s4  }
0x98: {  	_ =	strace $0x8FFFFFFF  }
0x99: {  	s19 =	sld [smem:$0x3FDB];
	_ =	sdelay $0x1  }
0x9a: {  	s5 =	simm.s32 $_scs_section_size  }
0x9b: {  	s6 =	simm.s32 $_size__tile_overlayer_lowered;
	s7 =	simm.s32 $_tile_overlayer_lowered  }
0x9c: {  	s22 =	simm.s32 $0x1BFF;
	s21 =	sshll.u32 s7, $0x1;
	s4 =	sadd.s32 s5, s19  }
0x9d: {  	s8 =	simm.s32 $0x0;
	s20 =	sshll.u32 s6, $0x1;
	s6 =	sadd.s32 s21, s4  }
0x9e: {  	[timem:s8], [sflag:s22] =	dma.local [hbm:s6], s20  }
0x9f: {  	_ =	swait.ge [sflag:s22], s20  }
0xa0: {  	s5 =	ssub.s32 $0x0, s20;
	[sflag:s22] =	ssyncset.done $0x0  }
0xa1: {  	[sflag:s22] =	ssyncadd.s32 s5;
	_ =	sdelay $0x1  }
0xa2: {  	s23 =	simm.s32 $0x1B8B  }
0xa3: {  	_ =	swait.ge [sflag:s23], $0x1  }
0xa4: {  	[sflag:s23] =	ssyncset.done $0x0  }
0xa5: {  	s25 =	simm.s32 $0x1B8E;
	s24 =	sld [smem:$0x3FFE];
	[sflag:s23] =	ssyncadd.s32 $0xFFFFFFFF  }
0xa6: {  	s26 =	simm.s32 $execute0_lowered;
	[smem:$0x3FD2] =	sst s25  }
0xa7: {  	s6 =	sshll.u32 s26, $0x1;
	_ =	strace $0x80000046;
	[dreg:$0x1] =	wrdreg $0xFFFFFFFF  }
0xa8: {  	s28 =	simm.s32 $_size_execute0_lowered;
	s4 =	sadd.s32 s4, s6;
	[dreg:$0x0] =	wrdreg $0x0  }
0xa9: {  	s6 =	sshll.u32 s28, $0x1;
	[dreg:$0x2] =	wrdreg s4  }
0xaa: {  	[dreg:$0x3] =	wrdreg s6  }
0xab: {  	[dreg:$0x4] =	wrdreg $0xC0  }
0xac: {  	_ =	task [dreg:s8], $0x5FFFF  }
0xad: {  	[dreg:$0x1] =	wrdreg $0xFFFFFFFF  }
0xae: {  	[dreg:$0x0] =	wrdreg $0x60  }
0xaf: {  	[dreg:$0x2] =	wrdreg s24  }
0xb0: {  	[dreg:$0x3] =	wrdreg s2  }
0xb1: {  	[dreg:$0x4] =	wrdreg s18  }
0xb2: {  	[dreg:$0x5] =	wrdreg $0x9  }
0xb3: {  	_ =	task.clear_ibuf [dreg:s8], $0x6FFFF;
	_ =	strace $0x90000046  }
0xb4: {  	s29 =	simm.s32 $0x9;
	_ =	strace $0x80000048  }
0xb5: {  	_ =	swait.ge [sflag:s29], $0x1  }
0xb6: {  	[sflag:s29] =	ssyncadd.s32 $0xFFFFFFFF  }
0xb7: {  	_ =	strace $0x90000048  }
0xb8: {  	_ =	sfence  }
0xb9: {  	s30 =	sld [smem:$0x0];
	_ =	sdelay $0x2  }
0xba: {  	s31 =	sshll.u32 s1, $0xD;
	s1 =	sshrl.u32 s1, $0x2  }
0xbb: {  	s3 =	sand.u32 $0x4000, s31;
	s1 =	sadd.s32 s1, s30  }
0xbc: {  	s0 =	sor.u32 s3, s0;
	s1 =	sshll.u32 s1, $0x11  }
0xbd: {  	s0 =	sor.u32 s1, s0  }
0xbe: {  	s0 =	sadd.s32 $0x8F2B, s0  }
0xbf: {  	[sflag:s0] =	ssyncadd.remote.s32 $0x1  }
0xc0: {  	_ =	sfence.sel $0xFFFF  }
0xc1: {  	[dreg:$0x0] =	wrdreg $0xFFFFFFFF;
	(pc) =	sbr.abs _section_cstart, $3  }
0xc2: {  	[dreg:$0x1] =	wrdreg $0xFFFFFFFF  }
0xc3: {  	_ =	task.clear_ibuf [dreg:s8], $0x2FFFF;
	_ =	strace $0x9FFFFFFF  }
0xc4: {  	(tm) =	ssettm $0x7FFFFFFF  }
0xc5: {  	_ =	shalt  }
tec
execute0_lowered:
.L_overlay_start_1:
0x0: {  	(tag) =	ssettag $0x1  }
0x1: {  	s0 =	rddreg [dreg:$0x0]  }
0x2: {  	s1 =	srdreg.scid;
	s2 =	rddreg [dreg:$0x1]  }
0x3: {  	s8 =	stileid.u32;
	s4 =	rddreg [dreg:$0x2]  }
0x4: {  	s9 =	simm.s32 $0xA;
	s1 =	sand.u32 $0x1, s1;
	s3 =	sshll.u32 s8, $0x1  }
0x5: {  	s10 =	simm.s32 $0xB;
	s11 =	simm.s32 $0xC;
	s5 =	sor.u32 s1, s3  }
0x6: {  	s12 =	simm.s32 $0xD;
	s13 =	simm.s32 $0xE;
	s6 =	smul.u32 $0xC8000, s5  }
0x7: {  	s14 =	simm.s32 $0xF;
	s3 =	simm.s32 $0x0;
	s5 =	smul.u32 $0x680, s5  }
0x8: {  	s15 =	simm.s32 $0x10;
	s7 =	ssub.s32 $0x2, s1;
	[smem:$0x7FF] =	sst s3  }
0x9: {  	s18 =	sshrl.u32 s7, $0x1;
	_ =	strace $0x80000047;
	s0 =	sadd.s32 s5, s0  }
0xa: {  	s6 =	sshrl.u32 s6, $0x3;
	s5 =	ssub.s32 s7, s18;
	s0 =	sadd.s32 $0x400, s0  }
0xb: {  	s6 =	sadd.s32 s4, s6;
	s31 =	smax.u32 s5, $0x1;
	[dreg:$0x4] =	wrdreg s0  }
0xc: {  	s17 =	simm.s32 $0x11;
	s19 =	sadd.s32 $0x16800, s6;
	[dreg:$0xf] =	wrdreg s31  }
0xd: {  	s16 =	simm.s32 $0x12;
	s20 =	sadd.s32 $0x16C00, s6;
	[dreg:$0x5] =	wrdreg s19  }
0xe: {  	s22 =	smul.u32 $0x32000, s8;
	s21 =	sadd.s32 $0x17000, s6;
	[dreg:$0x6] =	wrdreg s20  }
0xf: {  	s8 =	simm.s32 $0x9;
	s23 =	sadd.s32 $0x17400, s6;
	[dreg:$0x7] =	wrdreg s21  }
0x10: {  	s1 =	smul.u32 $0x19000, s1;
	s24 =	sadd.s32 $0x17800, s6;
	[dreg:$0x8] =	wrdreg s23  }
0x11: {  	s18 =	simm.s32 $0x40;
	s25 =	sadd.s32 $0x17C00, s6;
	[dreg:$0x9] =	wrdreg s24  }
0x12: {  	s7 =	simm.s32 $0x8;
	s26 =	sadd.s32 $0x18000, s6;
	[dreg:$0xa] =	wrdreg s25  }
0x13: {  	s0 =	sadd.s32 s22, s4;
	s28 =	sadd.s32 $0x18400, s6;
	[dreg:$0xb] =	wrdreg s26  }
0x14: {  	s29 =	sadd.s32 $0x18800, s6;
	s30 =	sadd.s32 $0x18C00, s6;
	[dreg:$0xc] =	wrdreg s28  }
0x15: {  	s6 =	simm.s32 $0x7;
	[dreg:$0xd] =	wrdreg s29;
	s0 =	sadd.s32 s1, s0  }
0x16: {  	[dreg:$0xe] =	wrdreg s30;
	s19 =	simm.s32 $0x13;
	s0 =	sadd.s32 $0x2400, s0  }
0x17: {  	s21 =	simm.s32 $0x14;
	[dreg:$0x10] =	wrdreg s0;
	s0 =	simm.s32 $0x0  }
.LBB2_1:
0x18: {  	[dreg:$0x11] =	wrdreg s0  }
0x19: {  	s23 =	rddreg [dreg:$0x4];
	s26 =	simm.s32 $0x15  }
0x1a: {  	[tilespmem:s3], [sflag:$0x15] =	stream.linear.gather [hbm4b:s23+s3], $0x3200, $0x38;
	[tilespmem:$0x17400] =	vst v63  }
0x1b: {  	_ =	swait.ge [sflag:s26], $0x3200  }
0x1c: {  	[sflag:s26] =	ssyncset.done $0x0  }
0x1d: {  	s1 =	simm.s32 $0x3400;
	[sflag:s26] =	ssyncadd.s32 $0xFFFFCE00  }
0x1e: {  	[tilespmem:s1], [sflag:$0x1] =	stream.indirect.gather [hbm4b:s2+s18], $0x80, s3, s18, $0xb8;
	[tilespmem:$0x17400] =	vst v63  }
0x1f: {  	s20 =	simm.s32 $0x80;
	s24 =	simm.s32 $0x5400  }
0x20: {  	[tilespmem:s24], [sflag:$0x2] =	stream.indirect.gather [hbm4b:s2+s18], $0x80, s20, s18, $0xb8;
	[tilespmem:$0x17400] =	vst v63  }
0x21: {  	s29 =	simm.s32 $0x100;
	s28 =	simm.s32 $0x7400  }
0x22: {  	[tilespmem:s28], [sflag:$0x3] =	stream.indirect.gather [hbm4b:s2+s18], $0x80, s29, s18, $0xb8;
	[tilespmem:$0x17400] =	vst v63  }
0x23: {  	s30 =	simm.s32 $0x180;
	s29 =	simm.s32 $0x9400  }
0x24: {  	[tilespmem:s29], [sflag:$0x4] =	stream.indirect.gather [hbm4b:s2+s18], $0x80, s30, s18, $0xb8;
	[tilespmem:$0x17400] =	vst v63  }
0x25: {  	s31 =	simm.s32 $0x200;
	s0 =	simm.s32 $0xB400  }
0x26: {  	[tilespmem:s0], [sflag:$0x5] =	stream.indirect.gather [hbm4b:s2+s18], $0x80, s31, s18, $0xb8;
	[tilespmem:$0x17400] =	vst v63  }
0x27: {  	s4 =	simm.s32 $0x280;
	s22 =	simm.s32 $0xD400  }
0x28: {  	[tilespmem:s22], [sflag:$0x6] =	stream.indirect.gather [hbm4b:s2+s18], $0x80, s4, s18, $0xb8;
	[tilespmem:$0x17400] =	vst v63  }
0x29: {  	s5 =	simm.s32 $0x300;
	s26 =	simm.s32 $0xF400  }
0x2a: {  	[tilespmem:s26], [sflag:$0x7] =	stream.indirect.gather [hbm4b:s2+s18], $0x80, s5, s18, $0xb8;
	[tilespmem:$0x17400] =	vst v63  }
0x2b: {  	s23 =	simm.s32 $0x380;
	s30 =	simm.s32 $0x11400  }
0x2c: {  	[tilespmem:s30], [sflag:$0x8] =	stream.indirect.gather [hbm4b:s2+s18], $0x80, s23, s18, $0xb8;
	[tilespmem:$0x17400] =	vst v63  }
0x2d: {  	s20 =	simm.s32 $0x13400;
	s4 =	simm.s32 $0x400  }
0x2e: {  	[tilespmem:s20], [sflag:$0x9] =	stream.indirect.gather [hbm4b:s2+s18], $0x80, s4, s18, $0xb8;
	[tilespmem:$0x17400] =	vst v63  }
0x2f: {  	s25 =	simm.s32 $0x480;
	s31 =	simm.s32 $0x1;
	s5 =	simm.s32 $0x15400  }
0x30: {  	[tilespmem:s5], [sflag:$0xA] =	stream.indirect.gather [hbm4b:s2+s18], $0x80, s25, s18, $0xb8;
	[tilespmem:$0x17400] =	vst v63  }
0x31: {  	_ =	swait.ge [sflag:s31], $0x2000  }
0x32: {  	[sflag:s31] =	ssyncset.done $0x0;
	s25 =	rddreg [dreg:$0x10]  }
0x33: {  	[sflag:s31] =	ssyncadd.s32 $0xFFFFE000;
	s4 =	sadd.s32 $0xFFFFDC00, s25;
	s31 =	simm.s32 $0x2  }
0x34: {  	[hbm4b:s4+s3] =	stream.linear.scatter [tilespmem:s1], [sflag:$0xB], $0x2000, $0x38;
	[tilespmem:$0x17400] =	vst v63  }
0x35: {  	_ =	swait.ge [sflag:s31], $0x2000  }
0x36: {  	[sflag:s31] =	ssyncset.done $0x0  }
0x37: {  	s4 =	sadd.s32 $0xFFFFE000, s25;
	[sflag:s31] =	ssyncadd.s32 $0xFFFFE000;
	s31 =	simm.s32 $0x3  }
0x38: {  	[hbm4b:s4+s3] =	stream.linear.scatter [tilespmem:s24], [sflag:$0xC], $0x2000, $0x38;
	[tilespmem:$0x17400] =	vst v63  }
0x39: {  	_ =	swait.ge [sflag:s31], $0x2000  }
0x3a: {  	[sflag:s31] =	ssyncset.done $0x0  }
0x3b: {  	s4 =	sadd.s32 $0xFFFFE400, s25;
	[sflag:s31] =	ssyncadd.s32 $0xFFFFE000;
	s31 =	simm.s32 $0x4  }
0x3c: {  	[hbm4b:s4+s3] =	stream.linear.scatter [tilespmem:s28], [sflag:$0xD], $0x2000, $0x38;
	[tilespmem:$0x17400] =	vst v63  }
0x3d: {  	_ =	swait.ge [sflag:s31], $0x2000  }
0x3e: {  	[sflag:s31] =	ssyncset.done $0x0  }
0x3f: {  	s4 =	sadd.s32 $0xFFFFE800, s25;
	[sflag:s31] =	ssyncadd.s32 $0xFFFFE000;
	s31 =	simm.s32 $0x5  }
0x40: {  	[hbm4b:s4+s3] =	stream.linear.scatter [tilespmem:s29], [sflag:$0xE], $0x2000, $0x38;
	[tilespmem:$0x17400] =	vst v63  }
0x41: {  	_ =	swait.ge [sflag:s31], $0x2000  }
0x42: {  	[sflag:s31] =	ssyncset.done $0x0  }
0x43: {  	s4 =	sadd.s32 $0xFFFFEC00, s25;
	[sflag:s31] =	ssyncadd.s32 $0xFFFFE000;
	s31 =	simm.s32 $0x6  }
0x44: {  	[hbm4b:s4+s3] =	stream.linear.scatter [tilespmem:s0], [sflag:$0xF], $0x2000, $0x38;
	[tilespmem:$0x17400] =	vst v63  }
0x45: {  	_ =	swait.ge [sflag:s31], $0x2000  }
0x46: {  	[sflag:s31] =	ssyncset.done $0x0  }
0x47: {  	s4 =	sadd.s32 $0xFFFFF000, s25;
	[sflag:s31] =	ssyncadd.s32 $0xFFFFE000  }
0x48: {  	[hbm4b:s4+s3] =	stream.linear.scatter [tilespmem:s22], [sflag:$0x10], $0x2000, $0x38;
	[tilespmem:$0x17400] =	vst v63  }
0x49: {  	_ =	swait.ge [sflag:s6], $0x2000  }
0x4a: {  	[sflag:s6] =	ssyncset.done $0x0  }
0x4b: {  	s31 =	sadd.s32 $0xFFFFF400, s25;
	[sflag:s6] =	ssyncadd.s32 $0xFFFFE000  }
0x4c: {  	[hbm4b:s31+s3] =	stream.linear.scatter [tilespmem:s26], [sflag:$0x11], $0x2000, $0x38;
	[tilespmem:$0x17400] =	vst v63  }
0x4d: {  	_ =	swait.ge [sflag:s7], $0x2000  }
0x4e: {  	[sflag:s7] =	ssyncset.done $0x0  }
0x4f: {  	s4 =	sadd.s32 $0xFFFFF800, s25;
	[sflag:s7] =	ssyncadd.s32 $0xFFFFE000  }
0x50: {  	[hbm4b:s4+s3] =	stream.linear.scatter [tilespmem:s30], [sflag:$0x12], $0x2000, $0x38;
	[tilespmem:$0x17400] =	vst v63  }
0x51: {  	_ =	swait.ge [sflag:s8], $0x2000  }
0x52: {  	[sflag:s8] =	ssyncset.done $0x0  }
0x53: {  	s31 =	sadd.s32 $0xFFFFFC00, s25;
	[sflag:s8] =	ssyncadd.s32 $0xFFFFE000  }
0x54: {  	[hbm4b:s31+s3] =	stream.linear.scatter [tilespmem:s20], [sflag:$0x13], $0x2000, $0x38;
	[tilespmem:$0x17400] =	vst v63  }
0x55: {  	_ =	swait.ge [sflag:s9], $0x2000  }
0x56: {  	[sflag:s9] =	ssyncset.done $0x0  }
0x57: {  	[sflag:s9] =	ssyncadd.s32 $0xFFFFE000  }
0x58: {  	[hbm4b:s25+s3] =	stream.linear.scatter [tilespmem:s5], [sflag:$0x14], $0x2000, $0x38;
	[tilespmem:$0x17400] =	vst v63  }
0x59: {  	_ =	swait.ge [sflag:s10], $0x2000  }
0x5a: {  	[sflag:s10] =	ssyncset.done $0x0  }
0x5b: {  	s4 =	simm.s32 $0x500;
	[sflag:s10] =	ssyncadd.s32 $0xFFFFE000  }
0x5c: {  	[tilespmem:s1], [sflag:$0x1] =	stream.indirect.gather [hbm4b:s2+s18], $0x80, s4, s18, $0xb8;
	[tilespmem:$0x17400] =	vst v63  }
0x5d: {  	_ =	swait.ge [sflag:s11], $0x2000  }
0x5e: {  	[sflag:s11] =	ssyncset.done $0x0  }
0x5f: {  	s5 =	simm.s32 $0x580;
	[sflag:s11] =	ssyncadd.s32 $0xFFFFE000  }
0x60: {  	[tilespmem:s24], [sflag:$0x2] =	stream.indirect.gather [hbm4b:s2+s18], $0x80, s5, s18, $0xb8;
	[tilespmem:$0x17400] =	vst v63  }
0x61: {  	_ =	swait.ge [sflag:s12], $0x2000  }
0x62: {  	[sflag:s12] =	ssyncset.done $0x0  }
0x63: {  	s31 =	simm.s32 $0x600;
	[sflag:s12] =	ssyncadd.s32 $0xFFFFE000  }
0x64: {  	[tilespmem:s28], [sflag:$0x3] =	stream.indirect.gather [hbm4b:s2+s18], $0x80, s31, s18, $0xb8;
	[tilespmem:$0x17400] =	vst v63  }
0x65: {  	_ =	swait.ge [sflag:s13], $0x2000  }
0x66: {  	[sflag:s13] =	ssyncset.done $0x0  }
0x67: {  	s1 =	simm.s32 $0x680;
	[sflag:s13] =	ssyncadd.s32 $0xFFFFE000  }
0x68: {  	[tilespmem:s29], [sflag:$0x4] =	stream.indirect.gather [hbm4b:s2+s18], $0x80, s1, s18, $0xb8;
	[tilespmem:$0x17400] =	vst v63  }
0x69: {  	_ =	swait.ge [sflag:s14], $0x2000  }
0x6a: {  	[sflag:s14] =	ssyncset.done $0x0  }
0x6b: {  	s4 =	simm.s32 $0x700;
	[sflag:s14] =	ssyncadd.s32 $0xFFFFE000  }
0x6c: {  	[tilespmem:s0], [sflag:$0x5] =	stream.indirect.gather [hbm4b:s2+s18], $0x80, s4, s18, $0xb8;
	[tilespmem:$0x17400] =	vst v63  }
0x6d: {  	_ =	swait.ge [sflag:s15], $0x2000  }
0x6e: {  	[sflag:s15] =	ssyncset.done $0x0  }
0x6f: {  	s5 =	simm.s32 $0x780;
	[sflag:s15] =	ssyncadd.s32 $0xFFFFE000  }
0x70: {  	[tilespmem:s22], [sflag:$0x6] =	stream.indirect.gather [hbm4b:s2+s18], $0x80, s5, s18, $0xb8;
	[tilespmem:$0x17400] =	vst v63  }
0x71: {  	_ =	swait.ge [sflag:s17], $0x2000  }
0x72: {  	[sflag:s17] =	ssyncset.done $0x0  }
0x73: {  	s24 =	simm.s32 $0x800;
	[sflag:s17] =	ssyncadd.s32 $0xFFFFE000  }
0x74: {  	[tilespmem:s26], [sflag:$0x7] =	stream.indirect.gather [hbm4b:s2+s18], $0x80, s24, s18, $0xb8;
	[tilespmem:$0x17400] =	vst v63  }
0x75: {  	_ =	swait.ge [sflag:s16], $0x2000  }
0x76: {  	[sflag:s16] =	ssyncset.done $0x0  }
0x77: {  	s29 =	simm.s32 $0x880;
	[sflag:s16] =	ssyncadd.s32 $0xFFFFE000  }
0x78: {  	[tilespmem:s30], [sflag:$0x8] =	stream.indirect.gather [hbm4b:s2+s18], $0x80, s29, s18, $0xb8;
	[tilespmem:$0x17400] =	vst v63  }
0x79: {  	_ =	swait.ge [sflag:s19], $0x2000  }
0x7a: {  	[sflag:s19] =	ssyncset.done $0x0  }
0x7b: {  	s31 =	simm.s32 $0x900;
	[sflag:s19] =	ssyncadd.s32 $0xFFFFE000  }
0x7c: {  	[tilespmem:s20], [sflag:$0x9] =	stream.indirect.gather [hbm4b:s2+s18], $0x80, s31, s18, $0xb8;
	[tilespmem:$0x17400] =	vst v63  }
0x7d: {  	_ =	swait.ge [sflag:s21], $0x2000  }
0x7e: {  	s23 =	simm.s32 $0x1400;
	[sflag:s21] =	ssyncset.done $0x0  }
0x7f: {  	s25 =	sadd.s32 $0x2800, s25;
	s28 =	simm.s32 $0x980;
	[sflag:s21] =	ssyncadd.s32 $0xFFFFE000  }
.LBB2_2:
0x80: {  	s20 =	simm.s32 $0x15400  }
0x81: {  	[tilespmem:s20], [sflag:$0xA] =	stream.indirect.gather [hbm4b:s2+s18], $0x80, s28, s18, $0xb8;
	[tilespmem:$0x17400] =	vst v63  }
0x82: {  	s0 =	simm.s32 $0x1;
	s28 =	smov.u32 s23  }
0x83: {  	p0 =	sne.s32 s23, $0xA000;
	s23 =	sadd.s32 $0x1400, s23;
	_ =	swait.ge [sflag:s0], $0x2000  }
0x84: {  	s30 =	sadd.s32 $0xFFFFDC00, s25;
	[sflag:s0] =	ssyncset.done $0x0  }
0x85: {  	s1 =	simm.s32 $0x3400;
	[sflag:s0] =	ssyncadd.s32 $0xFFFFE000;
	s0 =	simm.s32 $0x2  }
0x86: {  	[hbm4b:s30+s3] =	stream.linear.scatter [tilespmem:s1], [sflag:$0xB], $0x2000, $0x38;
	[tilespmem:$0x17400] =	vst v63  }
0x87: {  	_ =	swait.ge [sflag:s0], $0x2000  }
0x88: {  	s24 =	simm.s32 $0x5400;
	[sflag:s0] =	ssyncset.done $0x0  }
0x89: {  	s30 =	sadd.s32 $0xFFFFE000, s25;
	[sflag:s0] =	ssyncadd.s32 $0xFFFFE000;
	s0 =	simm.s32 $0x3  }
0x8a: {  	[hbm4b:s30+s3] =	stream.linear.scatter [tilespmem:s24], [sflag:$0xC], $0x2000, $0x38;
	[tilespmem:$0x17400] =	vst v63  }
0x8b: {  	_ =	swait.ge [sflag:s0], $0x2000  }
0x8c: {  	s29 =	simm.s32 $0x7400;
	[sflag:s0] =	ssyncset.done $0x0  }
0x8d: {  	s30 =	sadd.s32 $0xFFFFE400, s25;
	[sflag:s0] =	ssyncadd.s32 $0xFFFFE000;
	s0 =	simm.s32 $0x4  }
0x8e: {  	[hbm4b:s30+s3] =	stream.linear.scatter [tilespmem:s29], [sflag:$0xD], $0x2000, $0x38;
	[tilespmem:$0x17400] =	vst v63  }
0x8f: {  	_ =	swait.ge [sflag:s0], $0x2000  }
0x90: {  	s31 =	simm.s32 $0x9400;
	[sflag:s0] =	ssyncset.done $0x0  }
0x91: {  	s30 =	sadd.s32 $0xFFFFE800, s25;
	[sflag:s0] =	ssyncadd.s32 $0xFFFFE000;
	s0 =	simm.s32 $0x5  }
0x92: {  	[hbm4b:s30+s3] =	stream.linear.scatter [tilespmem:s31], [sflag:$0xE], $0x2000, $0x38;
	[tilespmem:$0x17400] =	vst v63  }
0x93: {  	_ =	swait.ge [sflag:s0], $0x2000  }
0x94: {  	s4 =	simm.s32 $0x6;
	[sflag:s0] =	ssyncset.done $0x0  }
0x95: {  	s30 =	sadd.s32 $0xFFFFEC00, s25;
	[sflag:s0] =	ssyncadd.s32 $0xFFFFE000;
	s0 =	simm.s32 $0xB400  }
0x96: {  	[hbm4b:s30+s3] =	stream.linear.scatter [tilespmem:s0], [sflag:$0xF], $0x2000, $0x38;
	[tilespmem:$0x17400] =	vst v63  }
0x97: {  	_ =	swait.ge [sflag:s4], $0x2000  }
0x98: {  	[sflag:s4] =	ssyncset.done $0x0  }
0x99: {  	s22 =	simm.s32 $0xD400;
	s30 =	sadd.s32 $0xFFFFF000, s25;
	[sflag:s4] =	ssyncadd.s32 $0xFFFFE000  }
0x9a: {  	[hbm4b:s30+s3] =	stream.linear.scatter [tilespmem:s22], [sflag:$0x10], $0x2000, $0x38;
	[tilespmem:$0x17400] =	vst v63  }
0x9b: {  	_ =	swait.ge [sflag:s6], $0x2000  }
0x9c: {  	[sflag:s6] =	ssyncset.done $0x0  }
0x9d: {  	s26 =	simm.s32 $0xF400;
	s30 =	sadd.s32 $0xFFFFF400, s25;
	[sflag:s6] =	ssyncadd.s32 $0xFFFFE000  }
0x9e: {  	[hbm4b:s30+s3] =	stream.linear.scatter [tilespmem:s26], [sflag:$0x11], $0x2000, $0x38;
	[tilespmem:$0x17400] =	vst v63  }
0x9f: {  	_ =	swait.ge [sflag:s7], $0x2000  }
0xa0: {  	[sflag:s7] =	ssyncset.done $0x0  }
0xa1: {  	s4 =	simm.s32 $0x11400;
	s30 =	sadd.s32 $0xFFFFF800, s25;
	[sflag:s7] =	ssyncadd.s32 $0xFFFFE000  }
0xa2: {  	[hbm4b:s30+s3] =	stream.linear.scatter [tilespmem:s4], [sflag:$0x12], $0x2000, $0x38;
	[tilespmem:$0x17400] =	vst v63  }
0xa3: {  	_ =	swait.ge [sflag:s8], $0x2000  }
0xa4: {  	[sflag:s8] =	ssyncset.done $0x0  }
0xa5: {  	s5 =	simm.s32 $0x13400;
	s30 =	sadd.s32 $0xFFFFFC00, s25;
	[sflag:s8] =	ssyncadd.s32 $0xFFFFE000  }
0xa6: {  	[hbm4b:s30+s3] =	stream.linear.scatter [tilespmem:s5], [sflag:$0x13], $0x2000, $0x38;
	[tilespmem:$0x17400] =	vst v63  }
0xa7: {  	_ =	swait.ge [sflag:s9], $0x2000  }
0xa8: {  	[sflag:s9] =	ssyncset.done $0x0  }
0xa9: {  	[sflag:s9] =	ssyncadd.s32 $0xFFFFE000  }
0xaa: {  	[hbm4b:s25+s3] =	stream.linear.scatter [tilespmem:s20], [sflag:$0x14], $0x2000, $0x38;
	[tilespmem:$0x17400] =	vst v63  }
0xab: {  	_ =	swait.ge [sflag:s10], $0x2000  }
0xac: {  	s28 =	sshra.s32 s28, $0x2;
	[sflag:s10] =	ssyncset.done $0x0  }
0xad: {  	s30 =	sadd.s32 $0x500, s28;
	s20 =	simm.s32 $0x3400;
	[sflag:s10] =	ssyncadd.s32 $0xFFFFE000  }
0xae: {  	[tilespmem:s1], [sflag:$0x1] =	stream.indirect.gather [hbm4b:s2+s18], $0x80, s30, s18, $0xb8;
	[tilespmem:$0x17400] =	vst v63  }
0xaf: {  	_ =	swait.ge [sflag:s11], $0x2000  }
0xb0: {  	[sflag:s11] =	ssyncset.done $0x0  }
0xb1: {  	s30 =	sadd.s32 $0x580, s28;
	s1 =	simm.s32 $0x5400;
	[sflag:s11] =	ssyncadd.s32 $0xFFFFE000  }
0xb2: {  	[tilespmem:s24], [sflag:$0x2] =	stream.indirect.gather [hbm4b:s2+s18], $0x80, s30, s18, $0xb8;
	[tilespmem:$0x17400] =	vst v63  }
0xb3: {  	_ =	swait.ge [sflag:s12], $0x2000  }
0xb4: {  	[sflag:s12] =	ssyncset.done $0x0  }
0xb5: {  	s30 =	sadd.s32 $0x600, s28;
	s24 =	simm.s32 $0x7400;
	[sflag:s12] =	ssyncadd.s32 $0xFFFFE000  }
0xb6: {  	[tilespmem:s29], [sflag:$0x3] =	stream.indirect.gather [hbm4b:s2+s18], $0x80, s30, s18, $0xb8;
	[tilespmem:$0x17400] =	vst v63  }
0xb7: {  	_ =	swait.ge [sflag:s13], $0x2000  }
0xb8: {  	[sflag:s13] =	ssyncset.done $0x0  }
0xb9: {  	s30 =	sadd.s32 $0x680, s28;
	s29 =	simm.s32 $0x9400;
	[sflag:s13] =	ssyncadd.s32 $0xFFFFE000  }
0xba: {  	[tilespmem:s31], [sflag:$0x4] =	stream.indirect.gather [hbm4b:s2+s18], $0x80, s30, s18, $0xb8;
	[tilespmem:$0x17400] =	vst v63  }
0xbb: {  	_ =	swait.ge [sflag:s14], $0x2000  }
0xbc: {  	[sflag:s14] =	ssyncset.done $0x0  }
0xbd: {  	s30 =	sadd.s32 $0x700, s28;
	s31 =	simm.s32 $0xB400;
	[sflag:s14] =	ssyncadd.s32 $0xFFFFE000  }
0xbe: {  	[tilespmem:s0], [sflag:$0x5] =	stream.indirect.gather [hbm4b:s2+s18], $0x80, s30, s18, $0xb8;
	[tilespmem:$0x17400] =	vst v63  }
0xbf: {  	_ =	swait.ge [sflag:s15], $0x2000  }
0xc0: {  	[sflag:s15] =	ssyncset.done $0x0  }
0xc1: {  	s30 =	sadd.s32 $0x780, s28;
	s0 =	simm.s32 $0xD400;
	[sflag:s15] =	ssyncadd.s32 $0xFFFFE000  }
0xc2: {  	[tilespmem:s22], [sflag:$0x6] =	stream.indirect.gather [hbm4b:s2+s18], $0x80, s30, s18, $0xb8;
	[tilespmem:$0x17400] =	vst v63  }
0xc3: {  	_ =	swait.ge [sflag:s17], $0x2000  }
0xc4: {  	[sflag:s17] =	ssyncset.done $0x0  }
0xc5: {  	s30 =	sadd.s32 $0x800, s28;
	s22 =	simm.s32 $0xF400;
	[sflag:s17] =	ssyncadd.s32 $0xFFFFE000  }
0xc6: {  	[tilespmem:s26], [sflag:$0x7] =	stream.indirect.gather [hbm4b:s2+s18], $0x80, s30, s18, $0xb8;
	[tilespmem:$0x17400] =	vst v63  }
0xc7: {  	_ =	swait.ge [sflag:s16], $0x2000  }
0xc8: {  	[sflag:s16] =	ssyncset.done $0x0  }
0xc9: {  	s30 =	sadd.s32 $0x880, s28;
	s26 =	simm.s32 $0x11400;
	[sflag:s16] =	ssyncadd.s32 $0xFFFFE000  }
0xca: {  	[tilespmem:s4], [sflag:$0x8] =	stream.indirect.gather [hbm4b:s2+s18], $0x80, s30, s18, $0xb8;
	[tilespmem:$0x17400] =	vst v63  }
0xcb: {  	_ =	swait.ge [sflag:s19], $0x2000  }
0xcc: {  	s30 =	sadd.s32 $0x900, s28;
	[sflag:s19] =	ssyncset.done $0x0  }
.Ltmp0:
0xcd: {  	s4 =	simm.s32 $0x13400;
	[sflag:s19] =	ssyncadd.s32 $0xFFFFE000;
	(pc) =	sbr.rel @p0 .LBB2_2-.Ltmp0, $4  }
0xce: {  	[tilespmem:s5], [sflag:$0x9] =	stream.indirect.gather [hbm4b:s2+s18], $0x80, s30, s18, $0xb8;
	[tilespmem:$0x17400] =	vst v63  }
0xcf: {  	_ =	swait.ge [sflag:s21], $0x2000  }
0xd0: {  	[sflag:s21] =	ssyncset.done $0x0  }
0xd1: {  	s25 =	sadd.s32 $0x2800, s25;
	s28 =	sadd.s32 $0x980, s28;
	[sflag:s21] =	ssyncadd.s32 $0xFFFFE000  }
0xd2: {  	s5 =	simm.s32 $0x15400;
	s23 =	simm.s32 $0x1  }
0xd3: {  	[tilespmem:s5], [sflag:$0xA] =	stream.indirect.gather [hbm4b:s2+s18], $0x80, s28, s18, $0xb8;
	[tilespmem:$0x17400] =	vst v63  }
0xd4: {  	_ =	swait.ge [sflag:s23], $0x2000  }
0xd5: {  	[sflag:s23] =	ssyncset.done $0x0  }
0xd6: {  	s25 =	simm.s32 $0x2;
	s30 =	rddreg [dreg:$0x5];
	[sflag:s23] =	ssyncadd.s32 $0xFFFFE000  }
0xd7: {  	[hbm4b:s30+s3] =	stream.linear.scatter [tilespmem:s20], [sflag:$0xB], $0x2000, $0x38;
	[tilespmem:$0x17400] =	vst v63  }
0xd8: {  	_ =	swait.ge [sflag:s25], $0x2000  }
0xd9: {  	[sflag:s25] =	ssyncset.done $0x0  }
0xda: {  	s30 =	simm.s32 $0x3;
	s28 =	rddreg [dreg:$0x6];
	[sflag:s25] =	ssyncadd.s32 $0xFFFFE000  }
0xdb: {  	[hbm4b:s28+s3] =	stream.linear.scatter [tilespmem:s1], [sflag:$0xC], $0x2000, $0x38;
	[tilespmem:$0x17400] =	vst v63  }
0xdc: {  	_ =	swait.ge [sflag:s30], $0x2000  }
0xdd: {  	[sflag:s30] =	ssyncset.done $0x0  }
0xde: {  	s25 =	simm.s32 $0x4;
	s20 =	rddreg [dreg:$0x7];
	[sflag:s30] =	ssyncadd.s32 $0xFFFFE000  }
0xdf: {  	[hbm4b:s20+s3] =	stream.linear.scatter [tilespmem:s24], [sflag:$0xD], $0x2000, $0x38;
	[tilespmem:$0x17400] =	vst v63  }
0xe0: {  	_ =	swait.ge [sflag:s25], $0x2000  }
0xe1: {  	[sflag:s25] =	ssyncset.done $0x0  }
0xe2: {  	s28 =	rddreg [dreg:$0x8];
	[sflag:s25] =	ssyncadd.s32 $0xFFFFE000  }
0xe3: {  	[hbm4b:s28+s3] =	stream.linear.scatter [tilespmem:s29], [sflag:$0xE], $0x2000, $0x38;
	[tilespmem:$0x17400] =	vst v63  }
0xe4: {  	s29 =	simm.s32 $0x5  }
0xe5: {  	_ =	swait.ge [sflag:s29], $0x2000  }
0xe6: {  	[sflag:s29] =	ssyncset.done $0x0  }
0xe7: {  	s30 =	rddreg [dreg:$0x9];
	[sflag:s29] =	ssyncadd.s32 $0xFFFFE000  }
0xe8: {  	[hbm4b:s30+s3] =	stream.linear.scatter [tilespmem:s31], [sflag:$0xF], $0x2000, $0x38;
	[tilespmem:$0x17400] =	vst v63  }
0xe9: {  	s31 =	simm.s32 $0x6  }
0xea: {  	_ =	swait.ge [sflag:s31], $0x2000  }
0xeb: {  	[sflag:s31] =	ssyncset.done $0x0  }
0xec: {  	s20 =	rddreg [dreg:$0xa];
	[sflag:s31] =	ssyncadd.s32 $0xFFFFE000  }
0xed: {  	[hbm4b:s20+s3] =	stream.linear.scatter [tilespmem:s0], [sflag:$0x10], $0x2000, $0x38;
	[tilespmem:$0x17400] =	vst v63  }
0xee: {  	_ =	swait.ge [sflag:s6], $0x2000  }
0xef: {  	[sflag:s6] =	ssyncset.done $0x0  }
0xf0: {  	s24 =	rddreg [dreg:$0xb];
	[sflag:s6] =	ssyncadd.s32 $0xFFFFE000  }
0xf1: {  	[hbm4b:s24+s3] =	stream.linear.scatter [tilespmem:s22], [sflag:$0x11], $0x2000, $0x38;
	[tilespmem:$0x17400] =	vst v63  }
0xf2: {  	_ =	swait.ge [sflag:s7], $0x2000  }
0xf3: {  	[sflag:s7] =	ssyncset.done $0x0  }
0xf4: {  	s25 =	rddreg [dreg:$0xc];
	[sflag:s7] =	ssyncadd.s32 $0xFFFFE000  }
0xf5: {  	[hbm4b:s25+s3] =	stream.linear.scatter [tilespmem:s26], [sflag:$0x12], $0x2000, $0x38;
	[tilespmem:$0x17400] =	vst v63  }
0xf6: {  	_ =	swait.ge [sflag:s8], $0x2000  }
0xf7: {  	[sflag:s8] =	ssyncset.done $0x0  }
0xf8: {  	s28 =	rddreg [dreg:$0xd];
	[sflag:s8] =	ssyncadd.s32 $0xFFFFE000  }
0xf9: {  	[hbm4b:s28+s3] =	stream.linear.scatter [tilespmem:s4], [sflag:$0x13], $0x2000, $0x38;
	[tilespmem:$0x17400] =	vst v63  }
0xfa: {  	_ =	swait.ge [sflag:s9], $0x2000  }
0xfb: {  	[sflag:s9] =	ssyncset.done $0x0  }
0xfc: {  	s29 =	rddreg [dreg:$0xe];
	[sflag:s9] =	ssyncadd.s32 $0xFFFFE000  }
0xfd: {  	[hbm4b:s29+s3] =	stream.linear.scatter [tilespmem:s5], [sflag:$0x14], $0x2000, $0x38;
	[tilespmem:$0x17400] =	vst v63  }
0xfe: {  	_ =	swait.ge [sflag:s10], $0x2000  }
0xff: {  	[sflag:s10] =	ssyncset.done $0x0  }
0x100: {  	[sflag:s10] =	ssyncadd.s32 $0xFFFFE000  }
0x101: {  	_ =	swait.ge [sflag:s11], $0x2000  }
0x102: {  	[sflag:s11] =	ssyncset.done $0x0  }
0x103: {  	[sflag:s11] =	ssyncadd.s32 $0xFFFFE000  }
0x104: {  	_ =	swait.ge [sflag:s12], $0x2000  }
0x105: {  	[sflag:s12] =	ssyncset.done $0x0  }
0x106: {  	[sflag:s12] =	ssyncadd.s32 $0xFFFFE000  }
0x107: {  	_ =	swait.ge [sflag:s13], $0x2000  }
0x108: {  	[sflag:s13] =	ssyncset.done $0x0  }
0x109: {  	[sflag:s13] =	ssyncadd.s32 $0xFFFFE000  }
0x10a: {  	_ =	swait.ge [sflag:s14], $0x2000  }
0x10b: {  	[sflag:s14] =	ssyncset.done $0x0  }
0x10c: {  	[sflag:s14] =	ssyncadd.s32 $0xFFFFE000  }
0x10d: {  	_ =	swait.ge [sflag:s15], $0x2000  }
0x10e: {  	[sflag:s15] =	ssyncset.done $0x0  }
0x10f: {  	[sflag:s15] =	ssyncadd.s32 $0xFFFFE000  }
0x110: {  	_ =	swait.ge [sflag:s17], $0x2000  }
0x111: {  	[sflag:s17] =	ssyncset.done $0x0  }
0x112: {  	[sflag:s17] =	ssyncadd.s32 $0xFFFFE000  }
0x113: {  	_ =	swait.ge [sflag:s16], $0x2000  }
0x114: {  	[sflag:s16] =	ssyncset.done $0x0  }
0x115: {  	[sflag:s16] =	ssyncadd.s32 $0xFFFFE000  }
0x116: {  	_ =	swait.ge [sflag:s19], $0x2000  }
0x117: {  	[sflag:s19] =	ssyncset.done $0x0  }
0x118: {  	[sflag:s19] =	ssyncadd.s32 $0xFFFFE000  }
0x119: {  	_ =	swait.ge [sflag:s21], $0x2000  }
0x11a: {  	s30 =	rddreg [dreg:$0x11]  }
0x11b: {  	s31 =	rddreg [dreg:$0xf];
	s0 =	sadd.s32 $0x1, s30  }
0x11c: {  	p0 =	sne.s32 s0, s31  }
.Ltmp1:
0x11d: {  	_ = 	snop;
	(pc) =	sbr.rel @p0 .LBB2_1-.Ltmp1, $3  }
0x11e: {  	_ =	sdelay $0x1  }
0x11f: {  	[sflag:s21] =	ssyncset.done $0x0  }
0x120: {  	[sflag:s21] =	ssyncadd.s32 $0xFFFFE000  }
0x121: {  	_ =	sfence.sel $0x180000  }
0x122: {  	[bflag:$0x0] =	sbarrier.arrive $0xFFFF  }
0x123: {  	_ =	strace $0x90000047  }
0x124: {  	s0 =	stileid.u32;
	[bflag:$0x2] =	sbarrier.arrive $0xFFFF  }
0x125: {  	p0 =	sne.s32 s0, $0x0;
	s0 =	rddreg [dreg:$0x3]  }
0x126: {  	s0 =	sadd.s32 @!p0 $0x100000, s0  }
0x127: {  	[sflag:s0] =	ssyncadd.tile.s32 @!p0 $0x1;
	_ =	shalt  }
.Lfunc_end2:
_tile_overlayer_lowered:
.L_overlay_start_2:
0x128: {  	(tag) =	ssettag $0x2  }
0x129: {  	s0 =	rddreg [dreg:$0x0];
	s2 =	stileid.u32  }
0x12a: {  	s1 =	rddreg [dreg:$0x1];
	p0 =	sne.s32 s2, $0x0  }
0x12b: {  	s3 =	rddreg [dreg:$0x2];
	[bflag:$0x3] =	sbarrier.arrive $0xFFFF;
	s2 =	simm.s32 @!p0 $0x1C15  }
0x12c: {  	[timem:s3], [sflag:s2] =	dma.local @!p0 [hbm:s0], s1  }
0x12d: {  	s0 =	simm.s32 @!p0 $0x15  }
0x12e: {  	_ =	swait.ge @!p0 [sflag:s0], s1  }
0x12f: {  	s1 =	ssub.s32 @!p0 $0x0, s1;
	[sflag:s0] =	ssyncset.done @!p0 $0x0  }
0x130: {  	[sflag:s0] =	ssyncadd.s32 @!p0 s1  }
0x131: {  	[bflag:$0x3] =	sbarrier.arrive $0xFFFF  }
0x132: {  	_ =	shalt  }

</sc_bundles>
